<compile_context>
chip_gen: v7x
topology: tpu7x:2x2x1
jax: 0.10.2.dev20260603
libtpu: 0.0.44.dev20260713+nightly
codegen_flags: <defaults>
</compile_context>

<pallas_src>
import functools

import jax
import jax.numpy as jnp
from jax.experimental import pallas as pl
from jax.experimental.pallas import tpu as pltpu

N_AGT, N_CTX, D, N_C = 10000, 150, 128, 2
A_TILE = 128
N_PAD = 10112
N_TILES = N_PAD // A_TILE


def _gn(x, w, b, eps=1e-5):
    m = jnp.mean(x, axis=-1, keepdims=True)
    v = jnp.mean((x - m) ** 2, axis=-1, keepdims=True)
    return (x - m) * jax.lax.rsqrt(v + eps) * w + b


def _att_kernel(th_ref, nact_ref, aidx_ref, agts_ref, actr_ref, cctr_ref, ctx_ref,
                WqT_ref, WaT_ref, Wd1T_ref, bd1_ref, Wd2T_ref, gnd_w_ref, gnd_b_ref,
                gnq_w_ref, gnq_b_ref, W1qT_ref, W1xT_ref, W1hT_ref,
                gnc1_w_ref, gnc1_b_ref, Wc2T_ref,
                norm_w_ref, norm_b_ref, WlT_ref, gnl_w_ref, gnl_b_ref,
                out_ref, xc_ref):
    i = pl.program_id(0)
    a = agts_ref[:]
    actr = actr_ref[:]
    th = th_ref[0, 0]

    dot = functools.partial(jnp.dot, preferred_element_type=jnp.float32)
    bf = lambda x: x.astype(jnp.bfloat16)

    q = jax.nn.relu(_gn(dot(a, WqT_ref[:]), gnq_w_ref[:], gnq_b_ref[:]))
    qc = dot(q, W1qT_ref[:])
    xc_ref[:] = dot(ctx_ref[:], W1xT_ref[:])

    acc0 = dot(a, WaT_ref[:])

    ax = actr[:, 0:1]
    ay = actr[:, 1:2]
    wd1x = Wd1T_ref[0:1, :]
    wd1y = Wd1T_ref[1:2, :]
    bd1 = bd1_ref[:]

    Wd2T = Wd2T_ref[:]
    W1hT = W1hT_ref[:]
    Wc2T = Wc2T_ref[:]
    gnd_w, gnd_b = gnd_w_ref[:], gnd_b_ref[:]
    gnc1_w, gnc1_b = gnc1_w_ref[:], gnc1_b_ref[:]

    def body(p, acc):
        c = aidx_ref[i, p]
        cxy = cctr_ref[pl.ds(c, 1), :]
        dx = ax - cxy[:, 0:1]
        dy = ay - cxy[:, 1:2]
        m = jnp.sqrt(dx * dx + dy * dy) <= th
        h1 = jax.nn.relu(dx * wd1x + dy * wd1y + bd1)
        h2 = jax.nn.relu(_gn(dot(bf(h1), Wd2T), gnd_w, gnd_b))
        s = dot(bf(h2), W1hT) + qc + xc_ref[pl.ds(c, 1), :]
        e = dot(bf(jax.nn.relu(_gn(s, gnc1_w, gnc1_b))), Wc2T)
        return acc + jnp.where(m, e, 0.0)

    acc = jax.lax.fori_loop(0, nact_ref[i], body, acc0)

    o = jax.nn.relu(_gn(acc, norm_w_ref[:], norm_b_ref[:]))
    o = _gn(dot(o, WlT_ref[:]), gnl_w_ref[:], gnl_b_ref[:])
    out_ref[:] = jax.nn.relu(o + a)


def _morton_key(ctrs):
    q = jnp.clip(((ctrs + 4.0) * 2.0), 0.0, 15.999).astype(jnp.int32)
    qx, qy = q[:, 0], q[:, 1]
    key = jnp.zeros_like(qx)
    for b in range(4):
        key = key | (((qx >> b) & 1) << (2 * b)) | (((qy >> b) & 1) << (2 * b + 1))
    return key


def kernel(agts, agt_ctrs, ctx, ctx_ctrs, Wd1, bd1, Wd2, gnd_w, gnd_b, Wq,
           gnq_w, gnq_b, Wc1, gnc1_w, gnc1_b, Wc2, Wa, norm_w, norm_b, Wl,
           gnl_w, gnl_b, agt_idcs, ctx_idcs, dist_th):
    th_f = jnp.asarray(dist_th, jnp.float32)

    perm = jnp.argsort(_morton_key(agt_ctrs))
    inv_perm = jnp.zeros((N_AGT,), jnp.int32).at[perm].set(
        jnp.arange(N_AGT, dtype=jnp.int32))
    agts_s = jnp.pad(agts[perm], ((0, N_PAD - N_AGT), (0, 0)))
    actr_s = jnp.pad(agt_ctrs[perm], ((0, N_PAD - N_AGT), (0, 0)),
                     constant_values=1e6)

    dx = actr_s[:, 0:1] - ctx_ctrs[None, :, 0].reshape(1, N_CTX)
    dy = actr_s[:, 1:2] - ctx_ctrs[None, :, 1].reshape(1, N_CTX)
    act = jnp.sqrt(dx * dx + dy * dy) <= th_f
    blk = act.reshape(N_TILES, A_TILE, N_CTX).any(axis=1)
    n_act = blk.sum(axis=1).astype(jnp.int32)
    aidx = jnp.argsort(~blk, axis=1, stable=True).astype(jnp.int32)

    th = th_f.reshape(1, 1)
    row = lambda v: v.reshape(1, D)

    tileA = pl.BlockSpec((A_TILE, D), lambda i: (i, 0))
    tileC = pl.BlockSpec((A_TILE, N_C), lambda i: (i, 0))
    full = lambda s: pl.BlockSpec(s, lambda i: (0,) * len(s))
    smem = pl.BlockSpec(memory_space=pltpu.SMEM)

    out = pl.pallas_call(
        _att_kernel,
        grid=(N_TILES,),
        in_specs=[
            smem,
            smem,
            smem,
            tileA,
            tileC,
            full((N_CTX, N_C)),
            full((N_CTX, D)),
            full((D, D)),
            full((D, D)),
            full((N_C, D)),
            full((1, D)),
            full((D, D)),
            full((1, D)), full((1, D)),
            full((1, D)), full((1, D)),
            full((D, D)),
            full((D, D)),
            full((D, D)),
            full((1, D)), full((1, D)),
            full((D, D)),
            full((1, D)), full((1, D)),
            full((D, D)),
            full((1, D)), full((1, D)),
        ],
        out_specs=tileA,
        out_shape=jax.ShapeDtypeStruct((N_PAD, D), jnp.float32),
        scratch_shapes=[pltpu.VMEM((N_CTX, D), jnp.float32)],
        compiler_params=pltpu.CompilerParams(
            dimension_semantics=("arbitrary",),
        ),
    )(th, n_act, aidx, agts_s, actr_s, ctx_ctrs, ctx,
      Wq.T, Wa.T, Wd1.T, row(bd1),
      Wd2.T.astype(jnp.bfloat16), row(gnd_w), row(gnd_b),
      row(gnq_w), row(gnq_b),
      Wc1[:, D:2 * D].T, Wc1[:, 2 * D:].T,
      Wc1[:, :D].T.astype(jnp.bfloat16), row(gnc1_w), row(gnc1_b),
      Wc2.T.astype(jnp.bfloat16),
      row(norm_w), row(norm_b), Wl.T, row(gnl_w), row(gnl_b))
    return out[inv_perm]

# --- scband reference (transcript-rebuilt; emitter-appended) ---
"""Pipeline reference for scband-att-60189671686752 (READ-ONLY COPY).

The authoritative reference and input builder live on the scoring server;
editing this copy changes nothing except your own understanding.
"""

import jax, jax.numpy as jnp
import numpy as np

N_AGT, N_CTX, D_AGT, N_C = 10000, 150, 128, 2

def _gn(x, w, b, eps=1e-5):
    # torch.nn.GroupNorm(num_groups=1, C) on [N, C] input
    m = jnp.mean(x, axis=1, keepdims=True)
    v = jnp.mean((x - m) ** 2, axis=1, keepdims=True)
    return (x - m) / jnp.sqrt(v + eps) * w + b

def setup_inputs(seed: int = 0):
    key = jax.random.key(seed)
    ks = jax.random.split(key, 24)
    def lin(k, fo, fi):
        return (jax.random.normal(k, (fo, fi), jnp.float32) / np.sqrt(fi)).astype(jnp.float32)
    inp = {
        "agts": jax.random.normal(ks[0], (N_AGT, D_AGT), jnp.float32),
        "agt_ctrs": jax.random.normal(ks[1], (N_AGT, N_C), jnp.float32),
        "ctx": jax.random.normal(ks[2], (N_CTX, D_AGT), jnp.float32),
        "ctx_ctrs": jax.random.normal(ks[3], (N_CTX, N_C), jnp.float32),
        "Wd1": lin(ks[4], 128, 2),
        "bd1": jnp.zeros((128,), jnp.float32),
        "Wd2": lin(ks[5], 128, 128),
        "gnd_w": jnp.ones((128,), jnp.float32),
        "gnd_b": jnp.zeros((128,), jnp.float32),
        "Wq": lin(ks[6], 128, 128),
        "gnq_w": jnp.ones((128,), jnp.float32),
        "gnq_b": jnp.zeros((128,), jnp.float32),
        "Wc1": lin(ks[7], 128, 384),
        "gnc1_w": jnp.ones((128,), jnp.float32),
        "gnc1_b": jnp.zeros((128,), jnp.float32),
        "Wc2": lin(ks[8], 128, 128),
        "Wa": lin(ks[9], 128, 128),
        "norm_w": jnp.ones((128,), jnp.float32),
        "norm_b": jnp.zeros((128,), jnp.float32),
        "Wl": lin(ks[10], 128, 128),
        "gnl_w": jnp.ones((128,), jnp.float32),
        "gnl_b": jnp.zeros((128,), jnp.float32),
        "agt_idcs": jnp.arange(N_AGT, dtype=jnp.int32),
        "ctx_idcs": jnp.arange(N_CTX, dtype=jnp.int32),
        "dist_th": 1.0,
    }
    return inp

def reference(agts, agt_ctrs, ctx, ctx_ctrs, Wd1, bd1, Wd2, gnd_w, gnd_b, Wq, gnq_w, gnq_b, Wc1, gnc1_w, gnc1_b, Wc2, Wa, norm_w, norm_b, Wl, gnl_w, gnl_b, agt_idcs, ctx_idcs, dist_th):
    res = agts
    # batch_size == 1 in original list-of-tensors API; flatten directly
    diff = agt_ctrs[:, None, :] - ctx_ctrs[None, :, :]
    dmat = jnp.sqrt((diff ** 2).sum(2))
    mask = dmat <= dist_th
    # self.query is row-wise over agents; compute once for all agent rows
    q = jax.nn.relu(_gn(agts @ Wq.T, gnq_w, gnq_b))
    out = agts @ Wa.T

    def body(acc, xs):
        cc, cx, m = xs
        dist = agt_ctrs - cc[None, :]
        # self.dist: nn.Linear(2,128)+ReLU, then Linear(128,128,GN,ng=1)+ReLU
        h = jax.nn.relu(dist @ Wd1.T + bd1)
        h = jax.nn.relu(_gn(h @ Wd2.T, gnd_w, gnd_b))
        e = jnp.concatenate([h, q, jnp.broadcast_to(cx[None, :], (N_AGT, D_AGT))], axis=1)
        # self.ctx: Linear(384,128,GN)+ReLU then nn.Linear(128,128,bias=False)
        e = jax.nn.relu(_gn(e @ Wc1.T, gnc1_w, gnc1_b))
        e = e @ Wc2.T
        acc = acc + jnp.where(m[:, None], e, jnp.zeros_like(e))
        return acc, None

    out, _ = jax.lax.scan(body, out, (ctx_ctrs, ctx, mask.T))
    out = jax.nn.relu(_gn(out, norm_w, norm_b))
    out = _gn(out @ Wl.T, gnl_w, gnl_b)
    out = jax.nn.relu(out + res)
    return out

if __name__ == "__main__":
    import jax
    _d = setup_inputs()
    print(jax.jit(kernel)(*tuple(_d.values())))

</pallas_src>

<mosaic_0001>
module attributes {stable_mosaic.version = 14 : i64} {
  func.func @_att_kernel(%arg0: i32, %arg1: memref<1x1xf32, #tpu.memory_space<smem>>, %arg2: memref<79xi32, #tpu.memory_space<smem>>, %arg3: memref<79x150xi32, #tpu.memory_space<smem>>, %arg4: memref<128x128xf32, #tpu.memory_space<vmem>>, %arg5: memref<128x2xf32, #tpu.memory_space<vmem>>, %arg6: memref<150x2xf32, #tpu.memory_space<vmem>>, %arg7: memref<150x128xf32, #tpu.memory_space<vmem>>, %arg8: memref<128x128xf32, #tpu.memory_space<vmem>>, %arg9: memref<128x128xf32, #tpu.memory_space<vmem>>, %arg10: memref<2x128xf32, #tpu.memory_space<vmem>>, %arg11: memref<1x128xf32, #tpu.memory_space<vmem>>, %arg12: memref<128x128xbf16, #tpu.memory_space<vmem>>, %arg13: memref<1x128xf32, #tpu.memory_space<vmem>>, %arg14: memref<1x128xf32, #tpu.memory_space<vmem>>, %arg15: memref<1x128xf32, #tpu.memory_space<vmem>>, %arg16: memref<1x128xf32, #tpu.memory_space<vmem>>, %arg17: memref<128x128xf32, #tpu.memory_space<vmem>>, %arg18: memref<128x128xf32, #tpu.memory_space<vmem>>, %arg19: memref<128x128xbf16, #tpu.memory_space<vmem>>, %arg20: memref<1x128xf32, #tpu.memory_space<vmem>>, %arg21: memref<1x128xf32, #tpu.memory_space<vmem>>, %arg22: memref<128x128xbf16, #tpu.memory_space<vmem>>, %arg23: memref<1x128xf32, #tpu.memory_space<vmem>>, %arg24: memref<1x128xf32, #tpu.memory_space<vmem>>, %arg25: memref<128x128xf32, #tpu.memory_space<vmem>>, %arg26: memref<1x128xf32, #tpu.memory_space<vmem>>, %arg27: memref<1x128xf32, #tpu.memory_space<vmem>>, %arg28: memref<128x128xf32, #tpu.memory_space<vmem>>, %arg29: memref<150x128xf32, #tpu.memory_space<vmem>>) attributes {dimension_semantics = [#tpu.dimension_semantics<arbitrary>], iteration_bounds = array<i64: 79>, scalar_prefetch = 0 : i64, scratch_operands = 1 : i64, tpu.core_type = #tpu.core_type<tc>, window_params = [{transform_indices = @transform_0, window_bounds = array<i64: 1, 1>}, {transform_indices = @transform_1, window_bounds = array<i64: 79>}, {transform_indices = @transform_2, window_bounds = array<i64: 79, 150>}, {transform_indices = @transform_3, window_bounds = array<i64: 128, 128>}, {transform_indices = @transform_4, window_bounds = array<i64: 128, 2>}, {pipeline_mode = #tpu.pipeline_mode<synchronous>, transform_indices = @transform_5, window_bounds = array<i64: 150, 2>}, {pipeline_mode = #tpu.pipeline_mode<synchronous>, transform_indices = @transform_6, window_bounds = array<i64: 150, 128>}, {pipeline_mode = #tpu.pipeline_mode<synchronous>, transform_indices = @transform_7, window_bounds = array<i64: 128, 128>}, {pipeline_mode = #tpu.pipeline_mode<synchronous>, transform_indices = @transform_8, window_bounds = array<i64: 128, 128>}, {pipeline_mode = #tpu.pipeline_mode<synchronous>, transform_indices = @transform_9, window_bounds = array<i64: 2, 128>}, {pipeline_mode = #tpu.pipeline_mode<synchronous>, transform_indices = @transform_10, window_bounds = array<i64: 1, 128>}, {pipeline_mode = #tpu.pipeline_mode<synchronous>, transform_indices = @transform_11, window_bounds = array<i64: 128, 128>}, {pipeline_mode = #tpu.pipeline_mode<synchronous>, transform_indices = @transform_12, window_bounds = array<i64: 1, 128>}, {pipeline_mode = #tpu.pipeline_mode<synchronous>, transform_indices = @transform_13, window_bounds = array<i64: 1, 128>}, {pipeline_mode = #tpu.pipeline_mode<synchronous>, transform_indices = @transform_14, window_bounds = array<i64: 1, 128>}, {pipeline_mode = #tpu.pipeline_mode<synchronous>, transform_indices = @transform_15, window_bounds = array<i64: 1, 128>}, {pipeline_mode = #tpu.pipeline_mode<synchronous>, transform_indices = @transform_16, window_bounds = array<i64: 128, 128>}, {pipeline_mode = #tpu.pipeline_mode<synchronous>, transform_indices = @transform_17, window_bounds = array<i64: 128, 128>}, {pipeline_mode = #tpu.pipeline_mode<synchronous>, transform_indices = @transform_18, window_bounds = array<i64: 128, 128>}, {pipeline_mode = #tpu.pipeline_mode<synchronous>, transform_indices = @transform_19, window_bounds = array<i64: 1, 128>}, {pipeline_mode = #tpu.pipeline_mode<synchronous>, transform_indices = @transform_20, window_bounds = array<i64: 1, 128>}, {pipeline_mode = #tpu.pipeline_mode<synchronous>, transform_indices = @transform_21, window_bounds = array<i64: 128, 128>}, {pipeline_mode = #tpu.pipeline_mode<synchronous>, transform_indices = @transform_22, window_bounds = array<i64: 1, 128>}, {pipeline_mode = #tpu.pipeline_mode<synchronous>, transform_indices = @transform_23, window_bounds = array<i64: 1, 128>}, {pipeline_mode = #tpu.pipeline_mode<synchronous>, transform_indices = @transform_24, window_bounds = array<i64: 128, 128>}, {pipeline_mode = #tpu.pipeline_mode<synchronous>, transform_indices = @transform_25, window_bounds = array<i64: 1, 128>}, {pipeline_mode = #tpu.pipeline_mode<synchronous>, transform_indices = @transform_26, window_bounds = array<i64: 1, 128>}, {transform_indices = @transform_27, window_bounds = array<i64: 128, 128>}]} {
    %get3A = arith.constant 0 : index
    %get3A_0 = arith.constant 0 : index
    %get3A_1 = vector.load %arg4[%get3A, %get3A_0] : memref<128x128xf32, #tpu.memory_space<vmem>>, vector<128x128xf32>
    %get3A_2 = arith.constant 0 : index
    %get3A_3 = arith.constant 0 : index
    %get3A_4 = vector.load %arg5[%get3A_2, %get3A_3] : memref<128x2xf32, #tpu.memory_space<vmem>>, vector<128x2xf32>
    %get3A_5 = arith.constant 0 : index
    %get3A_6 = arith.constant 0 : index
    %get3A_7 = memref.load %arg1[%get3A_5, %get3A_6] : memref<1x1xf32, #tpu.memory_space<smem>>
    %get3A_8 = arith.constant 0 : index
    %get3A_9 = arith.constant 0 : index
    %get3A_10 = vector.load %arg8[%get3A_8, %get3A_9] : memref<128x128xf32, #tpu.memory_space<vmem>>, vector<128x128xf32>
    %dot_general3A = arith.constant dense<0.000000e+00> : vector<128x128xf32>
    %dot_general3A_11 = tpu.matmul %get3A_1, %get3A_10, %dot_general3A {dimension_numbers = #tpu.dot_dimension_numbers<[1], [0], [0], [1], [0, 0, 1, 1], [], []>, transpose_lhs_hint = false} : vector<128x128xf32>, vector<128x128xf32>, vector<128x128xf32> -> vector<128x128xf32>
    %get3A_12 = arith.constant 0 : index
    %get3A_13 = arith.constant 0 : index
    %get3A_14 = vector.load %arg15[%get3A_12, %get3A_13] : memref<1x128xf32, #tpu.memory_space<vmem>>, vector<1x128xf32>
    %get3A_15 = arith.constant 0 : index
    %get3A_16 = arith.constant 0 : index
    %get3A_17 = vector.load %arg16[%get3A_15, %get3A_16] : memref<1x128xf32, #tpu.memory_space<vmem>>, vector<1x128xf32>
    %reduce_sum3A = arith.constant dense<0.000000e+00> : vector<128xf32>
    %reduce_sum3A_18 = vector.multi_reduction <add>, %dot_general3A_11, %reduce_sum3A [1] : vector<128x128xf32> to vector<128xf32>
    %broadcast_in_dim3A = vector.shape_cast %reduce_sum3A_18 : vector<128xf32> to vector<128x1xf32>
    %div3A = arith.constant 1.280000e+02 : f32
    %div3A_19 = vector.broadcast %div3A : f32 to vector<128x1xf32>
    %div3A_20 = arith.divf %broadcast_in_dim3A, %div3A_19 : vector<128x1xf32>
    %sub3A = vector.broadcast %div3A_20 : vector<128x1xf32> to vector<128x128xf32>
    %sub3A_21 = arith.subf %dot_general3A_11, %sub3A : vector<128x128xf32>
    %integer_pow3A = arith.mulf %sub3A_21, %sub3A_21 : vector<128x128xf32>
    %reduce_sum3A_22 = arith.constant dense<0.000000e+00> : vector<128xf32>
    %reduce_sum3A_23 = vector.multi_reduction <add>, %integer_pow3A, %reduce_sum3A_22 [1] : vector<128x128xf32> to vector<128xf32>
    %broadcast_in_dim3A_24 = vector.shape_cast %reduce_sum3A_23 : vector<128xf32> to vector<128x1xf32>
    %div3A_25 = arith.constant 1.280000e+02 : f32
    %div3A_26 = vector.broadcast %div3A_25 : f32 to vector<128x1xf32>
    %div3A_27 = arith.divf %broadcast_in_dim3A_24, %div3A_26 : vector<128x1xf32>
    %sub3A_28 = vector.broadcast %div3A_20 : vector<128x1xf32> to vector<128x128xf32>
    %sub3A_29 = arith.subf %dot_general3A_11, %sub3A_28 : vector<128x128xf32>
    %add3A = arith.constant 9.99999974E-6 : f32
    %add3A_30 = vector.broadcast %add3A : f32 to vector<128x1xf32>
    %add3A_31 = arith.addf %div3A_27, %add3A_30 : vector<128x1xf32>
    %sqrt3A = math.sqrt %add3A_31 : vector<128x1xf32>
    %div3A_32 = vector.broadcast %sqrt3A : vector<128x1xf32> to vector<128x128xf32>
    %div3A_33 = arith.divf %sub3A_29, %div3A_32 : vector<128x128xf32>
    %mul3A = vector.broadcast %get3A_14 : vector<1x128xf32> to vector<128x128xf32>
    %mul3A_34 = arith.mulf %div3A_33, %mul3A : vector<128x128xf32>
    %add3A_35 = vector.broadcast %get3A_17 : vector<1x128xf32> to vector<128x128xf32>
    %add3A_36 = arith.addf %mul3A_34, %add3A_35 : vector<128x128xf32>
    %max3A = arith.constant 0.000000e+00 : f32
    %max3A_37 = vector.broadcast %max3A : f32 to vector<128x128xf32>
    %max3A_38 = arith.maximumf %add3A_36, %max3A_37 : vector<128x128xf32>
    %get3A_39 = arith.constant 0 : index
    %get3A_40 = arith.constant 0 : index
    %get3A_41 = vector.load %arg17[%get3A_39, %get3A_40] : memref<128x128xf32, #tpu.memory_space<vmem>>, vector<128x128xf32>
    %dot_general3A_42 = arith.constant dense<0.000000e+00> : vector<128x128xf32>
    %dot_general3A_43 = tpu.matmul %max3A_38, %get3A_41, %dot_general3A_42 {dimension_numbers = #tpu.dot_dimension_numbers<[1], [0], [0], [1], [0, 0, 1, 1], [], []>, transpose_lhs_hint = false} : vector<128x128xf32>, vector<128x128xf32>, vector<128x128xf32> -> vector<128x128xf32>
    %get3A_44 = arith.constant 0 : index
    %get3A_45 = arith.constant 0 : index
    %get3A_46 = vector.load %arg7[%get3A_44, %get3A_45] : memref<150x128xf32, #tpu.memory_space<vmem>>, vector<150x128xf32>
    %get3A_47 = arith.constant 0 : index
    %get3A_48 = arith.constant 0 : index
    %get3A_49 = vector.load %arg18[%get3A_47, %get3A_48] : memref<128x128xf32, #tpu.memory_space<vmem>>, vector<128x128xf32>
    %dot_general3A_50 = arith.constant dense<0.000000e+00> : vector<150x128xf32>
    %dot_general3A_51 = tpu.matmul %get3A_46, %get3A_49, %dot_general3A_50 {dimension_numbers = #tpu.dot_dimension_numbers<[1], [0], [0], [1], [0, 0, 1, 1], [], []>, transpose_lhs_hint = false} : vector<150x128xf32>, vector<128x128xf32>, vector<150x128xf32> -> vector<150x128xf32>
    %swap3A = arith.constant 0 : index
    %swap3A_52 = arith.constant 0 : index
    %swap3A_53 = vector.load %arg29[%swap3A, %swap3A_52] : memref<150x128xf32, #tpu.memory_space<vmem>>, vector<150x128xf32>
    tpu.vector_store %arg29[%swap3A, %swap3A_52], %dot_general3A_51 {strides = array<i32>} : memref<150x128xf32, #tpu.memory_space<vmem>>, vector<150x128xf32>,
    %get3A_54 = arith.constant 0 : index
    %get3A_55 = arith.constant 0 : index
    %get3A_56 = vector.load %arg9[%get3A_54, %get3A_55] : memref<128x128xf32, #tpu.memory_space<vmem>>, vector<128x128xf32>
    %dot_general3A_57 = arith.constant dense<0.000000e+00> : vector<128x128xf32>
    %dot_general3A_58 = tpu.matmul %get3A_1, %get3A_56, %dot_general3A_57 {dimension_numbers = #tpu.dot_dimension_numbers<[1], [0], [0], [1], [0, 0, 1, 1], [], []>, transpose_lhs_hint = false} : vector<128x128xf32>, vector<128x128xf32>, vector<128x128xf32> -> vector<128x128xf32>
    %slice3A = vector.extract_strided_slice %get3A_4 {offsets = [0, 0], sizes = [128, 1], strides = [1, 1]} : vector<128x2xf32> to vector<128x1xf32>
    %slice3A_59 = vector.extract_strided_slice %get3A_4 {offsets = [0, 1], sizes = [128, 1], strides = [1, 1]} : vector<128x2xf32> to vector<128x1xf32>
    %get3A_60 = arith.constant 0 : index
    %get3A_61 = arith.constant 0 : index
    %get3A_62 = vector.load %arg10[%get3A_60, %get3A_61] : memref<2x128xf32, #tpu.memory_space<vmem>>, vector<1x128xf32>
    %get3A_63 = arith.constant 1 : index
    %get3A_64 = arith.constant 0 : index
    %get3A_65 = vector.load %arg10[%get3A_63, %get3A_64] : memref<2x128xf32, #tpu.memory_space<vmem>>, vector<1x128xf32>
    %get3A_66 = arith.constant 0 : index
    %get3A_67 = arith.constant 0 : index
    %get3A_68 = vector.load %arg11[%get3A_66, %get3A_67] : memref<1x128xf32, #tpu.memory_space<vmem>>, vector<1x128xf32>
    %get3A_69 = arith.constant 0 : index
    %get3A_70 = arith.constant 0 : index
    %get3A_71 = vector.load %arg12[%get3A_69, %get3A_70] : memref<128x128xbf16, #tpu.memory_space<vmem>>, vector<128x128xbf16>
    %get3A_72 = arith.constant 0 : index
    %get3A_73 = arith.constant 0 : index
    %get3A_74 = vector.load %arg19[%get3A_72, %get3A_73] : memref<128x128xbf16, #tpu.memory_space<vmem>>, vector<128x128xbf16>
    %get3A_75 = arith.constant 0 : index
    %get3A_76 = arith.constant 0 : index
    %get3A_77 = vector.load %arg22[%get3A_75, %get3A_76] : memref<128x128xbf16, #tpu.memory_space<vmem>>, vector<128x128xbf16>
    %get3A_78 = arith.constant 0 : index
    %get3A_79 = arith.constant 0 : index
    %get3A_80 = vector.load %arg13[%get3A_78, %get3A_79] : memref<1x128xf32, #tpu.memory_space<vmem>>, vector<1x128xf32>
    %get3A_81 = arith.constant 0 : index
    %get3A_82 = arith.constant 0 : index
    %get3A_83 = vector.load %arg14[%get3A_81, %get3A_82] : memref<1x128xf32, #tpu.memory_space<vmem>>, vector<1x128xf32>
    %get3A_84 = arith.constant 0 : index
    %get3A_85 = arith.constant 0 : index
    %get3A_86 = vector.load %arg20[%get3A_84, %get3A_85] : memref<1x128xf32, #tpu.memory_space<vmem>>, vector<1x128xf32>
    %get3A_87 = arith.constant 0 : index
    %get3A_88 = arith.constant 0 : index
    %get3A_89 = vector.load %arg21[%get3A_87, %get3A_88] : memref<1x128xf32, #tpu.memory_space<vmem>>, vector<1x128xf32>
    %get3A_90 = arith.index_cast %arg0 : i32 to index
    %get3A_91 = memref.load %arg2[%get3A_90] : memref<79xi32, #tpu.memory_space<smem>>
    %while3A = arith.constant 0 : i32
    %while3A_92 = arith.subi %get3A_91, %while3A : i32
    %while3A_93 = arith.addi %while3A, %while3A_92 : i32
    %while3A_94 = arith.constant 1 : i32
    %while3A_95 = arith.divsi %while3A_92, %while3A_94 : i32
    %while3A_96 = arith.muli %while3A_95, %while3A_94 : i32
    %while3A_97 = arith.addi %while3A, %while3A_96 : i32
    %while3A_98 = arith.constant 1 : i32
    %while3A_99 = scf.for %while3A_183 = %while3A to %while3A_97 step %while3A_98 iter_args(%while3A_184 = %dot_general3A_58) -> (vector<128x128xf32>)  : i32 {
      %get3A_185 = arith.index_cast %arg0 : i32 to index
      %get3A_186 = arith.index_cast %while3A_183 : i32 to index
      %get3A_187 = memref.load %arg3[%get3A_185, %get3A_186] : memref<79x150xi32, #tpu.memory_space<smem>>
      %get3A_188 = arith.index_cast %get3A_187 : i32 to index
      %get3A_189 = arith.constant 0 : index
      %get3A_190 = vector.load %arg6[%get3A_188, %get3A_189] : memref<150x2xf32, #tpu.memory_space<vmem>>, vector<1x2xf32>
      %slice3A_191 = vector.extract_strided_slice %get3A_190 {offsets = [0, 0], sizes = [1, 1], strides = [1, 1]} : vector<1x2xf32> to vector<1x1xf32>
      %sub3A_192 = vector.broadcast %slice3A_191 : vector<1x1xf32> to vector<128x1xf32>
      %sub3A_193 = arith.subf %slice3A, %sub3A_192 : vector<128x1xf32>
      %slice3A_194 = vector.extract_strided_slice %get3A_190 {offsets = [0, 1], sizes = [1, 1], strides = [1, 1]} : vector<1x2xf32> to vector<1x1xf32>
      %sub3A_195 = vector.broadcast %slice3A_194 : vector<1x1xf32> to vector<128x1xf32>
      %sub3A_196 = arith.subf %slice3A_59, %sub3A_195 : vector<128x1xf32>
      %mul3A_197 = arith.mulf %sub3A_193, %sub3A_193 : vector<128x1xf32>
      %mul3A_198 = arith.mulf %sub3A_196, %sub3A_196 : vector<128x1xf32>
      %add3A_199 = arith.addf %mul3A_197, %mul3A_198 : vector<128x1xf32>
      %sqrt3A_200 = math.sqrt %add3A_199 : vector<128x1xf32>
      %le3A = vector.broadcast %get3A_7 : f32 to vector<128x1xf32>
      %le3A_201 = arith.cmpf ole, %sqrt3A_200, %le3A : vector<128x1xf32>
      %mul3A_202 = vector.broadcast %sub3A_193 : vector<128x1xf32> to vector<128x128xf32>
      %mul3A_203 = vector.broadcast %get3A_62 : vector<1x128xf32> to vector<128x128xf32>
      %mul3A_204 = arith.mulf %mul3A_202, %mul3A_203 : vector<128x128xf32>
      %mul3A_205 = vector.broadcast %sub3A_196 : vector<128x1xf32> to vector<128x128xf32>
      %mul3A_206 = vector.broadcast %get3A_65 : vector<1x128xf32> to vector<128x128xf32>
      %mul3A_207 = arith.mulf %mul3A_205, %mul3A_206 : vector<128x128xf32>
      %add3A_208 = arith.addf %mul3A_204, %mul3A_207 : vector<128x128xf32>
      %add3A_209 = vector.broadcast %get3A_68 : vector<1x128xf32> to vector<128x128xf32>
      %add3A_210 = arith.addf %add3A_208, %add3A_209 : vector<128x128xf32>
      %max3A_211 = arith.constant 0.000000e+00 : f32
      %max3A_212 = vector.broadcast %max3A_211 : f32 to vector<128x128xf32>
      %max3A_213 = arith.maximumf %add3A_210, %max3A_212 : vector<128x128xf32>
      %convert_element_type3A = arith.truncf %max3A_213 : vector<128x128xf32> to vector<128x128xbf16>
      %dot_general3A_214 = arith.constant dense<0.000000e+00> : vector<128x128xf32>
      %dot_general3A_215 = tpu.matmul %convert_element_type3A, %get3A_71, %dot_general3A_214 {dimension_numbers = #tpu.dot_dimension_numbers<[1], [0], [0], [1], [0, 0, 1, 1], [], []>, transpose_lhs_hint = false} : vector<128x128xbf16>, vector<128x128xbf16>, vector<128x128xf32> -> vector<128x128xf32>
      %reduce_sum3A_216 = arith.constant dense<0.000000e+00> : vector<128xf32>
      %reduce_sum3A_217 = vector.multi_reduction <add>, %dot_general3A_215, %reduce_sum3A_216 [1] : vector<128x128xf32> to vector<128xf32>
      %broadcast_in_dim3A_218 = vector.shape_cast %reduce_sum3A_217 : vector<128xf32> to vector<128x1xf32>
      %div3A_219 = arith.constant 1.280000e+02 : f32
      %div3A_220 = vector.broadcast %div3A_219 : f32 to vector<128x1xf32>
      %div3A_221 = arith.divf %broadcast_in_dim3A_218, %div3A_220 : vector<128x1xf32>
      %sub3A_222 = vector.broadcast %div3A_221 : vector<128x1xf32> to vector<128x128xf32>
      %sub3A_223 = arith.subf %dot_general3A_215, %sub3A_222 : vector<128x128xf32>
      %integer_pow3A_224 = arith.mulf %sub3A_223, %sub3A_223 : vector<128x128xf32>
      %reduce_sum3A_225 = arith.constant dense<0.000000e+00> : vector<128xf32>
      %reduce_sum3A_226 = vector.multi_reduction <add>, %integer_pow3A_224, %reduce_sum3A_225 [1] : vector<128x128xf32> to vector<128xf32>
      %broadcast_in_dim3A_227 = vector.shape_cast %reduce_sum3A_226 : vector<128xf32> to vector<128x1xf32>
      %div3A_228 = arith.constant 1.280000e+02 : f32
      %div3A_229 = vector.broadcast %div3A_228 : f32 to vector<128x1xf32>
      %div3A_230 = arith.divf %broadcast_in_dim3A_227, %div3A_229 : vector<128x1xf32>
      %sub3A_231 = vector.broadcast %div3A_221 : vector<128x1xf32> to vector<128x128xf32>
      %sub3A_232 = arith.subf %dot_general3A_215, %sub3A_231 : vector<128x128xf32>
      %add3A_233 = arith.constant 9.99999974E-6 : f32
      %add3A_234 = vector.broadcast %add3A_233 : f32 to vector<128x1xf32>
      %add3A_235 = arith.addf %div3A_230, %add3A_234 : vector<128x1xf32>
      %sqrt3A_236 = math.sqrt %add3A_235 : vector<128x1xf32>
      %div3A_237 = vector.broadcast %sqrt3A_236 : vector<128x1xf32> to vector<128x128xf32>
      %div3A_238 = arith.divf %sub3A_232, %div3A_237 : vector<128x128xf32>
      %mul3A_239 = vector.broadcast %get3A_80 : vector<1x128xf32> to vector<128x128xf32>
      %mul3A_240 = arith.mulf %div3A_238, %mul3A_239 : vector<128x128xf32>
      %add3A_241 = vector.broadcast %get3A_83 : vector<1x128xf32> to vector<128x128xf32>
      %add3A_242 = arith.addf %mul3A_240, %add3A_241 : vector<128x128xf32>
      %max3A_243 = arith.constant 0.000000e+00 : f32
      %max3A_244 = vector.broadcast %max3A_243 : f32 to vector<128x128xf32>
      %max3A_245 = arith.maximumf %add3A_242, %max3A_244 : vector<128x128xf32>
      %convert_element_type3A_246 = arith.truncf %max3A_245 : vector<128x128xf32> to vector<128x128xbf16>
      %dot_general3A_247 = arith.constant dense<0.000000e+00> : vector<128x128xf32>
      %dot_general3A_248 = tpu.matmul %convert_element_type3A_246, %get3A_74, %dot_general3A_247 {dimension_numbers = #tpu.dot_dimension_numbers<[1], [0], [0], [1], [0, 0, 1, 1], [], []>, transpose_lhs_hint = false} : vector<128x128xbf16>, vector<128x128xbf16>, vector<128x128xf32> -> vector<128x128xf32>
      %add3A_249 = arith.addf %dot_general3A_248, %dot_general3A_43 : vector<128x128xf32>
      %get3A_250 = arith.index_cast %get3A_187 : i32 to index
      %get3A_251 = arith.constant 0 : index
      %get3A_252 = vector.load %arg29[%get3A_250, %get3A_251] : memref<150x128xf32, #tpu.memory_space<vmem>>, vector<1x128xf32>
      %add3A_253 = vector.broadcast %get3A_252 : vector<1x128xf32> to vector<128x128xf32>
      %add3A_254 = arith.addf %add3A_249, %add3A_253 : vector<128x128xf32>
      %reduce_sum3A_255 = arith.constant dense<0.000000e+00> : vector<128xf32>
      %reduce_sum3A_256 = vector.multi_reduction <add>, %add3A_254, %reduce_sum3A_255 [1] : vector<128x128xf32> to vector<128xf32>
      %broadcast_in_dim3A_257 = vector.shape_cast %reduce_sum3A_256 : vector<128xf32> to vector<128x1xf32>
      %div3A_258 = arith.constant 1.280000e+02 : f32
      %div3A_259 = vector.broadcast %div3A_258 : f32 to vector<128x1xf32>
      %div3A_260 = arith.divf %broadcast_in_dim3A_257, %div3A_259 : vector<128x1xf32>
      %sub3A_261 = vector.broadcast %div3A_260 : vector<128x1xf32> to vector<128x128xf32>
      %sub3A_262 = arith.subf %add3A_254, %sub3A_261 : vector<128x128xf32>
      %integer_pow3A_263 = arith.mulf %sub3A_262, %sub3A_262 : vector<128x128xf32>
      %reduce_sum3A_264 = arith.constant dense<0.000000e+00> : vector<128xf32>
      %reduce_sum3A_265 = vector.multi_reduction <add>, %integer_pow3A_263, %reduce_sum3A_264 [1] : vector<128x128xf32> to vector<128xf32>
      %broadcast_in_dim3A_266 = vector.shape_cast %reduce_sum3A_265 : vector<128xf32> to vector<128x1xf32>
      %div3A_267 = arith.constant 1.280000e+02 : f32
      %div3A_268 = vector.broadcast %div3A_267 : f32 to vector<128x1xf32>
      %div3A_269 = arith.divf %broadcast_in_dim3A_266, %div3A_268 : vector<128x1xf32>
      %sub3A_270 = vector.broadcast %div3A_260 : vector<128x1xf32> to vector<128x128xf32>
      %sub3A_271 = arith.subf %add3A_254, %sub3A_270 : vector<128x128xf32>
      %add3A_272 = arith.constant 9.99999974E-6 : f32
      %add3A_273 = vector.broadcast %add3A_272 : f32 to vector<128x1xf32>
      %add3A_274 = arith.addf %div3A_269, %add3A_273 : vector<128x1xf32>
      %sqrt3A_275 = math.sqrt %add3A_274 : vector<128x1xf32>
      %div3A_276 = vector.broadcast %sqrt3A_275 : vector<128x1xf32> to vector<128x128xf32>
      %div3A_277 = arith.divf %sub3A_271, %div3A_276 : vector<128x128xf32>
      %mul3A_278 = vector.broadcast %get3A_86 : vector<1x128xf32> to vector<128x128xf32>
      %mul3A_279 = arith.mulf %div3A_277, %mul3A_278 : vector<128x128xf32>
      %add3A_280 = vector.broadcast %get3A_89 : vector<1x128xf32> to vector<128x128xf32>
      %add3A_281 = arith.addf %mul3A_279, %add3A_280 : vector<128x128xf32>
      %max3A_282 = arith.constant 0.000000e+00 : f32
      %max3A_283 = vector.broadcast %max3A_282 : f32 to vector<128x128xf32>
      %max3A_284 = arith.maximumf %add3A_281, %max3A_283 : vector<128x128xf32>
      %convert_element_type3A_285 = arith.truncf %max3A_284 : vector<128x128xf32> to vector<128x128xbf16>
      %dot_general3A_286 = arith.constant dense<0.000000e+00> : vector<128x128xf32>
      %dot_general3A_287 = tpu.matmul %convert_element_type3A_285, %get3A_77, %dot_general3A_286 {dimension_numbers = #tpu.dot_dimension_numbers<[1], [0], [0], [1], [0, 0, 1, 1], [], []>, transpose_lhs_hint = false} : vector<128x128xbf16>, vector<128x128xbf16>, vector<128x128xf32> -> vector<128x128xf32>
      %jit3A = arith.constant 0.000000e+00 : f32
      %broadcast_in_dim3A_288 = vector.shape_cast %le3A_201 : vector<128x1xi1> to vector<128x1xi1>
      %broadcast_in_dim3A_289 = vector.broadcast %broadcast_in_dim3A_288 : vector<128x1xi1> to vector<128x128xi1>
      %broadcast_in_dim3A_290 = vector.broadcast %jit3A : f32 to vector<128x128xf32>
      %select_n3A = arith.select %broadcast_in_dim3A_289, %dot_general3A_287, %broadcast_in_dim3A_290 : vector<128x128xi1>, vector<128x128xf32>
      %add3A_291 = arith.addf %while3A_184, %select_n3A : vector<128x128xf32>
      scf.yield %add3A_291 : vector<128x128xf32>
    }
    %while3A_100 = arith.constant 1 : i32
    %while3A_101 = scf.for %while3A_183 = %while3A_97 to %while3A_93 step %while3A_100 iter_args(%while3A_184 = %while3A_99) -> (vector<128x128xf32>)  : i32 {
      %get3A_185 = arith.index_cast %arg0 : i32 to index
      %get3A_186 = arith.index_cast %while3A_183 : i32 to index
      %get3A_187 = memref.load %arg3[%get3A_185, %get3A_186] : memref<79x150xi32, #tpu.memory_space<smem>>
      %get3A_188 = arith.index_cast %get3A_187 : i32 to index
      %get3A_189 = arith.constant 0 : index
      %get3A_190 = vector.load %arg6[%get3A_188, %get3A_189] : memref<150x2xf32, #tpu.memory_space<vmem>>, vector<1x2xf32>
      %slice3A_191 = vector.extract_strided_slice %get3A_190 {offsets = [0, 0], sizes = [1, 1], strides = [1, 1]} : vector<1x2xf32> to vector<1x1xf32>
      %sub3A_192 = vector.broadcast %slice3A_191 : vector<1x1xf32> to vector<128x1xf32>
      %sub3A_193 = arith.subf %slice3A, %sub3A_192 : vector<128x1xf32>
      %slice3A_194 = vector.extract_strided_slice %get3A_190 {offsets = [0, 1], sizes = [1, 1], strides = [1, 1]} : vector<1x2xf32> to vector<1x1xf32>
      %sub3A_195 = vector.broadcast %slice3A_194 : vector<1x1xf32> to vector<128x1xf32>
      %sub3A_196 = arith.subf %slice3A_59, %sub3A_195 : vector<128x1xf32>
      %mul3A_197 = arith.mulf %sub3A_193, %sub3A_193 : vector<128x1xf32>
      %mul3A_198 = arith.mulf %sub3A_196, %sub3A_196 : vector<128x1xf32>
      %add3A_199 = arith.addf %mul3A_197, %mul3A_198 : vector<128x1xf32>
      %sqrt3A_200 = math.sqrt %add3A_199 : vector<128x1xf32>
      %le3A = vector.broadcast %get3A_7 : f32 to vector<128x1xf32>
      %le3A_201 = arith.cmpf ole, %sqrt3A_200, %le3A : vector<128x1xf32>
      %mul3A_202 = vector.broadcast %sub3A_193 : vector<128x1xf32> to vector<128x128xf32>
      %mul3A_203 = vector.broadcast %get3A_62 : vector<1x128xf32> to vector<128x128xf32>
      %mul3A_204 = arith.mulf %mul3A_202, %mul3A_203 : vector<128x128xf32>
      %mul3A_205 = vector.broadcast %sub3A_196 : vector<128x1xf32> to vector<128x128xf32>
      %mul3A_206 = vector.broadcast %get3A_65 : vector<1x128xf32> to vector<128x128xf32>
      %mul3A_207 = arith.mulf %mul3A_205, %mul3A_206 : vector<128x128xf32>
      %add3A_208 = arith.addf %mul3A_204, %mul3A_207 : vector<128x128xf32>
      %add3A_209 = vector.broadcast %get3A_68 : vector<1x128xf32> to vector<128x128xf32>
      %add3A_210 = arith.addf %add3A_208, %add3A_209 : vector<128x128xf32>
      %max3A_211 = arith.constant 0.000000e+00 : f32
      %max3A_212 = vector.broadcast %max3A_211 : f32 to vector<128x128xf32>
      %max3A_213 = arith.maximumf %add3A_210, %max3A_212 : vector<128x128xf32>
      %convert_element_type3A = arith.truncf %max3A_213 : vector<128x128xf32> to vector<128x128xbf16>
      %dot_general3A_214 = arith.constant dense<0.000000e+00> : vector<128x128xf32>
      %dot_general3A_215 = tpu.matmul %convert_element_type3A, %get3A_71, %dot_general3A_214 {dimension_numbers = #tpu.dot_dimension_numbers<[1], [0], [0], [1], [0, 0, 1, 1], [], []>, transpose_lhs_hint = false} : vector<128x128xbf16>, vector<128x128xbf16>, vector<128x128xf32> -> vector<128x128xf32>
      %reduce_sum3A_216 = arith.constant dense<0.000000e+00> : vector<128xf32>
      %reduce_sum3A_217 = vector.multi_reduction <add>, %dot_general3A_215, %reduce_sum3A_216 [1] : vector<128x128xf32> to vector<128xf32>
      %broadcast_in_dim3A_218 = vector.shape_cast %reduce_sum3A_217 : vector<128xf32> to vector<128x1xf32>
      %div3A_219 = arith.constant 1.280000e+02 : f32
      %div3A_220 = vector.broadcast %div3A_219 : f32 to vector<128x1xf32>
      %div3A_221 = arith.divf %broadcast_in_dim3A_218, %div3A_220 : vector<128x1xf32>
      %sub3A_222 = vector.broadcast %div3A_221 : vector<128x1xf32> to vector<128x128xf32>
      %sub3A_223 = arith.subf %dot_general3A_215, %sub3A_222 : vector<128x128xf32>
      %integer_pow3A_224 = arith.mulf %sub3A_223, %sub3A_223 : vector<128x128xf32>
      %reduce_sum3A_225 = arith.constant dense<0.000000e+00> : vector<128xf32>
      %reduce_sum3A_226 = vector.multi_reduction <add>, %integer_pow3A_224, %reduce_sum3A_225 [1] : vector<128x128xf32> to vector<128xf32>
      %broadcast_in_dim3A_227 = vector.shape_cast %reduce_sum3A_226 : vector<128xf32> to vector<128x1xf32>
      %div3A_228 = arith.constant 1.280000e+02 : f32
      %div3A_229 = vector.broadcast %div3A_228 : f32 to vector<128x1xf32>
      %div3A_230 = arith.divf %broadcast_in_dim3A_227, %div3A_229 : vector<128x1xf32>
      %sub3A_231 = vector.broadcast %div3A_221 : vector<128x1xf32> to vector<128x128xf32>
      %sub3A_232 = arith.subf %dot_general3A_215, %sub3A_231 : vector<128x128xf32>
      %add3A_233 = arith.constant 9.99999974E-6 : f32
      %add3A_234 = vector.broadcast %add3A_233 : f32 to vector<128x1xf32>
      %add3A_235 = arith.addf %div3A_230, %add3A_234 : vector<128x1xf32>
      %sqrt3A_236 = math.sqrt %add3A_235 : vector<128x1xf32>
      %div3A_237 = vector.broadcast %sqrt3A_236 : vector<128x1xf32> to vector<128x128xf32>
      %div3A_238 = arith.divf %sub3A_232, %div3A_237 : vector<128x128xf32>
      %mul3A_239 = vector.broadcast %get3A_80 : vector<1x128xf32> to vector<128x128xf32>
      %mul3A_240 = arith.mulf %div3A_238, %mul3A_239 : vector<128x128xf32>
      %add3A_241 = vector.broadcast %get3A_83 : vector<1x128xf32> to vector<128x128xf32>
      %add3A_242 = arith.addf %mul3A_240, %add3A_241 : vector<128x128xf32>
      %max3A_243 = arith.constant 0.000000e+00 : f32
      %max3A_244 = vector.broadcast %max3A_243 : f32 to vector<128x128xf32>
      %max3A_245 = arith.maximumf %add3A_242, %max3A_244 : vector<128x128xf32>
      %convert_element_type3A_246 = arith.truncf %max3A_245 : vector<128x128xf32> to vector<128x128xbf16>
      %dot_general3A_247 = arith.constant dense<0.000000e+00> : vector<128x128xf32>
      %dot_general3A_248 = tpu.matmul %convert_element_type3A_246, %get3A_74, %dot_general3A_247 {dimension_numbers = #tpu.dot_dimension_numbers<[1], [0], [0], [1], [0, 0, 1, 1], [], []>, transpose_lhs_hint = false} : vector<128x128xbf16>, vector<128x128xbf16>, vector<128x128xf32> -> vector<128x128xf32>
      %add3A_249 = arith.addf %dot_general3A_248, %dot_general3A_43 : vector<128x128xf32>
      %get3A_250 = arith.index_cast %get3A_187 : i32 to index
      %get3A_251 = arith.constant 0 : index
      %get3A_252 = vector.load %arg29[%get3A_250, %get3A_251] : memref<150x128xf32, #tpu.memory_space<vmem>>, vector<1x128xf32>
      %add3A_253 = vector.broadcast %get3A_252 : vector<1x128xf32> to vector<128x128xf32>
      %add3A_254 = arith.addf %add3A_249, %add3A_253 : vector<128x128xf32>
      %reduce_sum3A_255 = arith.constant dense<0.000000e+00> : vector<128xf32>
      %reduce_sum3A_256 = vector.multi_reduction <add>, %add3A_254, %reduce_sum3A_255 [1] : vector<128x128xf32> to vector<128xf32>
      %broadcast_in_dim3A_257 = vector.shape_cast %reduce_sum3A_256 : vector<128xf32> to vector<128x1xf32>
      %div3A_258 = arith.constant 1.280000e+02 : f32
      %div3A_259 = vector.broadcast %div3A_258 : f32 to vector<128x1xf32>
      %div3A_260 = arith.divf %broadcast_in_dim3A_257, %div3A_259 : vector<128x1xf32>
      %sub3A_261 = vector.broadcast %div3A_260 : vector<128x1xf32> to vector<128x128xf32>
      %sub3A_262 = arith.subf %add3A_254, %sub3A_261 : vector<128x128xf32>
      %integer_pow3A_263 = arith.mulf %sub3A_262, %sub3A_262 : vector<128x128xf32>
      %reduce_sum3A_264 = arith.constant dense<0.000000e+00> : vector<128xf32>
      %reduce_sum3A_265 = vector.multi_reduction <add>, %integer_pow3A_263, %reduce_sum3A_264 [1] : vector<128x128xf32> to vector<128xf32>
      %broadcast_in_dim3A_266 = vector.shape_cast %reduce_sum3A_265 : vector<128xf32> to vector<128x1xf32>
      %div3A_267 = arith.constant 1.280000e+02 : f32
      %div3A_268 = vector.broadcast %div3A_267 : f32 to vector<128x1xf32>
      %div3A_269 = arith.divf %broadcast_in_dim3A_266, %div3A_268 : vector<128x1xf32>
      %sub3A_270 = vector.broadcast %div3A_260 : vector<128x1xf32> to vector<128x128xf32>
      %sub3A_271 = arith.subf %add3A_254, %sub3A_270 : vector<128x128xf32>
      %add3A_272 = arith.constant 9.99999974E-6 : f32
      %add3A_273 = vector.broadcast %add3A_272 : f32 to vector<128x1xf32>
      %add3A_274 = arith.addf %div3A_269, %add3A_273 : vector<128x1xf32>
      %sqrt3A_275 = math.sqrt %add3A_274 : vector<128x1xf32>
      %div3A_276 = vector.broadcast %sqrt3A_275 : vector<128x1xf32> to vector<128x128xf32>
      %div3A_277 = arith.divf %sub3A_271, %div3A_276 : vector<128x128xf32>
      %mul3A_278 = vector.broadcast %get3A_86 : vector<1x128xf32> to vector<128x128xf32>
      %mul3A_279 = arith.mulf %div3A_277, %mul3A_278 : vector<128x128xf32>
      %add3A_280 = vector.broadcast %get3A_89 : vector<1x128xf32> to vector<128x128xf32>
      %add3A_281 = arith.addf %mul3A_279, %add3A_280 : vector<128x128xf32>
      %max3A_282 = arith.constant 0.000000e+00 : f32
      %max3A_283 = vector.broadcast %max3A_282 : f32 to vector<128x128xf32>
      %max3A_284 = arith.maximumf %add3A_281, %max3A_283 : vector<128x128xf32>
      %convert_element_type3A_285 = arith.truncf %max3A_284 : vector<128x128xf32> to vector<128x128xbf16>
      %dot_general3A_286 = arith.constant dense<0.000000e+00> : vector<128x128xf32>
      %dot_general3A_287 = tpu.matmul %convert_element_type3A_285, %get3A_77, %dot_general3A_286 {dimension_numbers = #tpu.dot_dimension_numbers<[1], [0], [0], [1], [0, 0, 1, 1], [], []>, transpose_lhs_hint = false} : vector<128x128xbf16>, vector<128x128xbf16>, vector<128x128xf32> -> vector<128x128xf32>
      %jit3A = arith.constant 0.000000e+00 : f32
      %broadcast_in_dim3A_288 = vector.shape_cast %le3A_201 : vector<128x1xi1> to vector<128x1xi1>
      %broadcast_in_dim3A_289 = vector.broadcast %broadcast_in_dim3A_288 : vector<128x1xi1> to vector<128x128xi1>
      %broadcast_in_dim3A_290 = vector.broadcast %jit3A : f32 to vector<128x128xf32>
      %select_n3A = arith.select %broadcast_in_dim3A_289, %dot_general3A_287, %broadcast_in_dim3A_290 : vector<128x128xi1>, vector<128x128xf32>
      %add3A_291 = arith.addf %while3A_184, %select_n3A : vector<128x128xf32>
      scf.yield %add3A_291 : vector<128x128xf32>
    }
    %get3A_102 = arith.constant 0 : index
    %get3A_103 = arith.constant 0 : index
    %get3A_104 = vector.load %arg23[%get3A_102, %get3A_103] : memref<1x128xf32, #tpu.memory_space<vmem>>, vector<1x128xf32>
    %get3A_105 = arith.constant 0 : index
    %get3A_106 = arith.constant 0 : index
    %get3A_107 = vector.load %arg24[%get3A_105, %get3A_106] : memref<1x128xf32, #tpu.memory_space<vmem>>, vector<1x128xf32>
    %reduce_sum3A_108 = arith.constant dense<0.000000e+00> : vector<128xf32>
    %reduce_sum3A_109 = vector.multi_reduction <add>, %while3A_101, %reduce_sum3A_108 [1] : vector<128x128xf32> to vector<128xf32>
    %broadcast_in_dim3A_110 = vector.shape_cast %reduce_sum3A_109 : vector<128xf32> to vector<128x1xf32>
    %div3A_111 = arith.constant 1.280000e+02 : f32
    %div3A_112 = vector.broadcast %div3A_111 : f32 to vector<128x1xf32>
    %div3A_113 = arith.divf %broadcast_in_dim3A_110, %div3A_112 : vector<128x1xf32>
    %sub3A_114 = vector.broadcast %div3A_113 : vector<128x1xf32> to vector<128x128xf32>
    %sub3A_115 = arith.subf %while3A_101, %sub3A_114 : vector<128x128xf32>
    %integer_pow3A_116 = arith.mulf %sub3A_115, %sub3A_115 : vector<128x128xf32>
    %reduce_sum3A_117 = arith.constant dense<0.000000e+00> : vector<128xf32>
    %reduce_sum3A_118 = vector.multi_reduction <add>, %integer_pow3A_116, %reduce_sum3A_117 [1] : vector<128x128xf32> to vector<128xf32>
    %broadcast_in_dim3A_119 = vector.shape_cast %reduce_sum3A_118 : vector<128xf32> to vector<128x1xf32>
    %div3A_120 = arith.constant 1.280000e+02 : f32
    %div3A_121 = vector.broadcast %div3A_120 : f32 to vector<128x1xf32>
    %div3A_122 = arith.divf %broadcast_in_dim3A_119, %div3A_121 : vector<128x1xf32>
    %sub3A_123 = vector.broadcast %div3A_113 : vector<128x1xf32> to vector<128x128xf32>
    %sub3A_124 = arith.subf %while3A_101, %sub3A_123 : vector<128x128xf32>
    %add3A_125 = arith.constant 9.99999974E-6 : f32
    %add3A_126 = vector.broadcast %add3A_125 : f32 to vector<128x1xf32>
    %add3A_127 = arith.addf %div3A_122, %add3A_126 : vector<128x1xf32>
    %sqrt3A_128 = math.sqrt %add3A_127 : vector<128x1xf32>
    %div3A_129 = vector.broadcast %sqrt3A_128 : vector<128x1xf32> to vector<128x128xf32>
    %div3A_130 = arith.divf %sub3A_124, %div3A_129 : vector<128x128xf32>
    %mul3A_131 = vector.broadcast %get3A_104 : vector<1x128xf32> to vector<128x128xf32>
    %mul3A_132 = arith.mulf %div3A_130, %mul3A_131 : vector<128x128xf32>
    %add3A_133 = vector.broadcast %get3A_107 : vector<1x128xf32> to vector<128x128xf32>
    %add3A_134 = arith.addf %mul3A_132, %add3A_133 : vector<128x128xf32>
    %max3A_135 = arith.constant 0.000000e+00 : f32
    %max3A_136 = vector.broadcast %max3A_135 : f32 to vector<128x128xf32>
    %max3A_137 = arith.maximumf %add3A_134, %max3A_136 : vector<128x128xf32>
    %get3A_138 = arith.constant 0 : index
    %get3A_139 = arith.constant 0 : index
    %get3A_140 = vector.load %arg25[%get3A_138, %get3A_139] : memref<128x128xf32, #tpu.memory_space<vmem>>, vector<128x128xf32>
    %dot_general3A_141 = arith.constant dense<0.000000e+00> : vector<128x128xf32>
    %dot_general3A_142 = tpu.matmul %max3A_137, %get3A_140, %dot_general3A_141 {dimension_numbers = #tpu.dot_dimension_numbers<[1], [0], [0], [1], [0, 0, 1, 1], [], []>, transpose_lhs_hint = false} : vector<128x128xf32>, vector<128x128xf32>, vector<128x128xf32> -> vector<128x128xf32>
    %get3A_143 = arith.constant 0 : index
    %get3A_144 = arith.constant 0 : index
    %get3A_145 = vector.load %arg26[%get3A_143, %get3A_144] : memref<1x128xf32, #tpu.memory_space<vmem>>, vector<1x128xf32>
    %get3A_146 = arith.constant 0 : index
    %get3A_147 = arith.constant 0 : index
    %get3A_148 = vector.load %arg27[%get3A_146, %get3A_147] : memref<1x128xf32, #tpu.memory_space<vmem>>, vector<1x128xf32>
    %reduce_sum3A_149 = arith.constant dense<0.000000e+00> : vector<128xf32>
    %reduce_sum3A_150 = vector.multi_reduction <add>, %dot_general3A_142, %reduce_sum3A_149 [1] : vector<128x128xf32> to vector<128xf32>
    %broadcast_in_dim3A_151 = vector.shape_cast %reduce_sum3A_150 : vector<128xf32> to vector<128x1xf32>
    %div3A_152 = arith.constant 1.280000e+02 : f32
    %div3A_153 = vector.broadcast %div3A_152 : f32 to vector<128x1xf32>
    %div3A_154 = arith.divf %broadcast_in_dim3A_151, %div3A_153 : vector<128x1xf32>
    %sub3A_155 = vector.broadcast %div3A_154 : vector<128x1xf32> to vector<128x128xf32>
    %sub3A_156 = arith.subf %dot_general3A_142, %sub3A_155 : vector<128x128xf32>
    %integer_pow3A_157 = arith.mulf %sub3A_156, %sub3A_156 : vector<128x128xf32>
    %reduce_sum3A_158 = arith.constant dense<0.000000e+00> : vector<128xf32>
    %reduce_sum3A_159 = vector.multi_reduction <add>, %integer_pow3A_157, %reduce_sum3A_158 [1] : vector<128x128xf32> to vector<128xf32>
    %broadcast_in_dim3A_160 = vector.shape_cast %reduce_sum3A_159 : vector<128xf32> to vector<128x1xf32>
    %div3A_161 = arith.constant 1.280000e+02 : f32
    %div3A_162 = vector.broadcast %div3A_161 : f32 to vector<128x1xf32>
    %div3A_163 = arith.divf %broadcast_in_dim3A_160, %div3A_162 : vector<128x1xf32>
    %sub3A_164 = vector.broadcast %div3A_154 : vector<128x1xf32> to vector<128x128xf32>
    %sub3A_165 = arith.subf %dot_general3A_142, %sub3A_164 : vector<128x128xf32>
    %add3A_166 = arith.constant 9.99999974E-6 : f32
    %add3A_167 = vector.broadcast %add3A_166 : f32 to vector<128x1xf32>
    %add3A_168 = arith.addf %div3A_163, %add3A_167 : vector<128x1xf32>
    %sqrt3A_169 = math.sqrt %add3A_168 : vector<128x1xf32>
    %div3A_170 = vector.broadcast %sqrt3A_169 : vector<128x1xf32> to vector<128x128xf32>
    %div3A_171 = arith.divf %sub3A_165, %div3A_170 : vector<128x128xf32>
    %mul3A_172 = vector.broadcast %get3A_145 : vector<1x128xf32> to vector<128x128xf32>
    %mul3A_173 = arith.mulf %div3A_171, %mul3A_172 : vector<128x128xf32>
    %add3A_174 = vector.broadcast %get3A_148 : vector<1x128xf32> to vector<128x128xf32>
    %add3A_175 = arith.addf %mul3A_173, %add3A_174 : vector<128x128xf32>
    %add3A_176 = arith.addf %add3A_175, %get3A_1 : vector<128x128xf32>
    %max3A_177 = arith.constant 0.000000e+00 : f32
    %max3A_178 = vector.broadcast %max3A_177 : f32 to vector<128x128xf32>
    %max3A_179 = arith.maximumf %add3A_176, %max3A_178 : vector<128x128xf32>
    %swap3A_180 = arith.constant 0 : index
    %swap3A_181 = arith.constant 0 : index
    %swap3A_182 = vector.load %arg28[%swap3A_180, %swap3A_181] : memref<128x128xf32, #tpu.memory_space<vmem>>, vector<128x128xf32>
    tpu.vector_store %arg28[%swap3A_180, %swap3A_181], %max3A_179 {strides = array<i32>} : memref<128x128xf32, #tpu.memory_space<vmem>>, vector<128x128xf32>,
    return
  }
  func.func @transform_0(%arg0: i32) -> (i32, i32) {
    %c0_i32 = arith.constant 0 : i32
    %c0_i32_0 = arith.constant 0 : i32
    %c0_i32_1 = arith.constant 0 : i32
    return %c0_i32, %c0_i32_0 : i32, i32
  }
  func.func @transform_1(%arg0: i32) -> i32 {
    %c0_i32 = arith.constant 0 : i32
    %c0_i32_0 = arith.constant 0 : i32
    return %c0_i32 : i32
  }
  func.func @transform_2(%arg0: i32) -> (i32, i32) {
    %c0_i32 = arith.constant 0 : i32
    %c0_i32_0 = arith.constant 0 : i32
    %c0_i32_1 = arith.constant 0 : i32
    return %c0_i32, %c0_i32_0 : i32, i32
  }
  func.func @transform_3(%arg0: i32) -> (i32, i32) {
    %c0_i32 = arith.constant 0 : i32
    %c0_i32_0 = arith.constant 0 : i32
    return %arg0, %c0_i32 : i32, i32
  }
  func.func @transform_4(%arg0: i32) -> (i32, i32) {
    %c0_i32 = arith.constant 0 : i32
    %c0_i32_0 = arith.constant 0 : i32
    return %arg0, %c0_i32 : i32, i32
  }
  func.func @transform_5(%arg0: i32) -> (i32, i32) {
    %c0_i32 = arith.constant 0 : i32
    %c0_i32_0 = arith.constant 0 : i32
    %c0_i32_1 = arith.constant 0 : i32
    return %c0_i32, %c0_i32_0 : i32, i32
  }
  func.func @transform_6(%arg0: i32) -> (i32, i32) {
    %c0_i32 = arith.constant 0 : i32
    %c0_i32_0 = arith.constant 0 : i32
    %c0_i32_1 = arith.constant 0 : i32
    return %c0_i32, %c0_i32_0 : i32, i32
  }
  func.func @transform_7(%arg0: i32) -> (i32, i32) {
    %c0_i32 = arith.constant 0 : i32
    %c0_i32_0 = arith.constant 0 : i32
    %c0_i32_1 = arith.constant 0 : i32
    return %c0_i32, %c0_i32_0 : i32, i32
  }
  func.func @transform_8(%arg0: i32) -> (i32, i32) {
    %c0_i32 = arith.constant 0 : i32
    %c0_i32_0 = arith.constant 0 : i32
    %c0_i32_1 = arith.constant 0 : i32
    return %c0_i32, %c0_i32_0 : i32, i32
  }
  func.func @transform_9(%arg0: i32) -> (i32, i32) {
    %c0_i32 = arith.constant 0 : i32
    %c0_i32_0 = arith.constant 0 : i32
    %c0_i32_1 = arith.constant 0 : i32
    return %c0_i32, %c0_i32_0 : i32, i32
  }
  func.func @transform_10(%arg0: i32) -> (i32, i32) {
    %c0_i32 = arith.constant 0 : i32
    %c0_i32_0 = arith.constant 0 : i32
    %c0_i32_1 = arith.constant 0 : i32
    return %c0_i32, %c0_i32_0 : i32, i32
  }
  func.func @transform_11(%arg0: i32) -> (i32, i32) {
    %c0_i32 = arith.constant 0 : i32
    %c0_i32_0 = arith.constant 0 : i32
    %c0_i32_1 = arith.constant 0 : i32
    return %c0_i32, %c0_i32_0 : i32, i32
  }
  func.func @transform_12(%arg0: i32) -> (i32, i32) {
    %c0_i32 = arith.constant 0 : i32
    %c0_i32_0 = arith.constant 0 : i32
    %c0_i32_1 = arith.constant 0 : i32
    return %c0_i32, %c0_i32_0 : i32, i32
  }
  func.func @transform_13(%arg0: i32) -> (i32, i32) {
    %c0_i32 = arith.constant 0 : i32
    %c0_i32_0 = arith.constant 0 : i32
    %c0_i32_1 = arith.constant 0 : i32
    return %c0_i32, %c0_i32_0 : i32, i32
  }
  func.func @transform_14(%arg0: i32) -> (i32, i32) {
    %c0_i32 = arith.constant 0 : i32
    %c0_i32_0 = arith.constant 0 : i32
    %c0_i32_1 = arith.constant 0 : i32
    return %c0_i32, %c0_i32_0 : i32, i32
  }
  func.func @transform_15(%arg0: i32) -> (i32, i32) {
    %c0_i32 = arith.constant 0 : i32
    %c0_i32_0 = arith.constant 0 : i32
    %c0_i32_1 = arith.constant 0 : i32
    return %c0_i32, %c0_i32_0 : i32, i32
  }
  func.func @transform_16(%arg0: i32) -> (i32, i32) {
    %c0_i32 = arith.constant 0 : i32
    %c0_i32_0 = arith.constant 0 : i32
    %c0_i32_1 = arith.constant 0 : i32
    return %c0_i32, %c0_i32_0 : i32, i32
  }
  func.func @transform_17(%arg0: i32) -> (i32, i32) {
    %c0_i32 = arith.constant 0 : i32
    %c0_i32_0 = arith.constant 0 : i32
    %c0_i32_1 = arith.constant 0 : i32
    return %c0_i32, %c0_i32_0 : i32, i32
  }
  func.func @transform_18(%arg0: i32) -> (i32, i32) {
    %c0_i32 = arith.constant 0 : i32
    %c0_i32_0 = arith.constant 0 : i32
    %c0_i32_1 = arith.constant 0 : i32
    return %c0_i32, %c0_i32_0 : i32, i32
  }
  func.func @transform_19(%arg0: i32) -> (i32, i32) {
    %c0_i32 = arith.constant 0 : i32
    %c0_i32_0 = arith.constant 0 : i32
    %c0_i32_1 = arith.constant 0 : i32
    return %c0_i32, %c0_i32_0 : i32, i32
  }
  func.func @transform_20(%arg0: i32) -> (i32, i32) {
    %c0_i32 = arith.constant 0 : i32
    %c0_i32_0 = arith.constant 0 : i32
    %c0_i32_1 = arith.constant 0 : i32
    return %c0_i32, %c0_i32_0 : i32, i32
  }
  func.func @transform_21(%arg0: i32) -> (i32, i32) {
    %c0_i32 = arith.constant 0 : i32
    %c0_i32_0 = arith.constant 0 : i32
    %c0_i32_1 = arith.constant 0 : i32
    return %c0_i32, %c0_i32_0 : i32, i32
  }
  func.func @transform_22(%arg0: i32) -> (i32, i32) {
    %c0_i32 = arith.constant 0 : i32
    %c0_i32_0 = arith.constant 0 : i32
    %c0_i32_1 = arith.constant 0 : i32
    return %c0_i32, %c0_i32_0 : i32, i32
  }
  func.func @transform_23(%arg0: i32) -> (i32, i32) {
    %c0_i32 = arith.constant 0 : i32
    %c0_i32_0 = arith.constant 0 : i32
    %c0_i32_1 = arith.constant 0 : i32
    return %c0_i32, %c0_i32_0 : i32, i32
  }
  func.func @transform_24(%arg0: i32) -> (i32, i32) {
    %c0_i32 = arith.constant 0 : i32
    %c0_i32_0 = arith.constant 0 : i32
    %c0_i32_1 = arith.constant 0 : i32
    return %c0_i32, %c0_i32_0 : i32, i32
  }
  func.func @transform_25(%arg0: i32) -> (i32, i32) {
    %c0_i32 = arith.constant 0 : i32
    %c0_i32_0 = arith.constant 0 : i32
    %c0_i32_1 = arith.constant 0 : i32
    return %c0_i32, %c0_i32_0 : i32, i32
  }
  func.func @transform_26(%arg0: i32) -> (i32, i32) {
    %c0_i32 = arith.constant 0 : i32
    %c0_i32_0 = arith.constant 0 : i32
    %c0_i32_1 = arith.constant 0 : i32
    return %c0_i32, %c0_i32_0 : i32, i32
  }
  func.func @transform_27(%arg0: i32) -> (i32, i32) {
    %c0_i32 = arith.constant 0 : i32
    %c0_i32_0 = arith.constant 0 : i32
    return %arg0, %c0_i32 : i32, i32
  }
}

</mosaic_0001>

<sc_bundles>
// kernel: gather_offload_async_start.1
scs
__scs_entry_jumppad:
0x0: {  	(pc) =	sbr.rel $0x88, $3  }
0x1: {  	(tag) =	ssettag $0x0;
	lr =	simm.s32 $0x1  }
0x2: {  	[smem:$0x3F8A] =	sst lr;
	_ =	strace $0xD0000000  }
0x3: {  	_ = 	snop  }
0x4: {  	_ = 	snop  }
0x5: {  	_ = 	snop  }
0x6: {  	_ = 	snop  }
0x7: {  	_ = 	snop  }
__scs_overlays_trampoline_lowered:
0x8: {  	[smem:$0x3F99] =	sst s0  }
0x9: {  	[smem:$0x3F9A] =	sst s1  }
0xa: {  	[smem:$0x3F9B] =	sst s2  }
0xb: {  	[smem:$0x3F9C] =	sst s3  }
0xc: {  	[smem:$0x3F9D] =	sst s4  }
0xd: {  	[smem:$0x3F9E] =	sst s5  }
0xe: {  	[smem:$0x3F9F] =	sst s6  }
0xf: {  	[smem:$0x3FA0] =	sst s7  }
0x10: {  	[smem:$0x3FA1] =	sst s8  }
0x11: {  	[smem:$0x3FA2] =	sst s9;
	s0 =	simm.s32 @!p0 $0x0  }
0x12: {  	s1 =	sld [smem:$0x3F88];
	s0 =	simm.s32 @p0 $0x1  }
0x13: {  	[smem:$0x3FA3] =	sst s0;
	s0 =	simm.s32 @!p1 $0x0  }
0x14: {  	s2 =	sld [smem:$0x3F87];
	s0 =	simm.s32 @p1 $0x1  }
0x15: {  	[smem:$0x3FA4] =	sst s0;
	s0 =	simm.s32 @!p2 $0x0  }
0x16: {  	s3 =	sld [smem:$0x3FDB];
	s0 =	simm.s32 @p2 $0x1  }
0x17: {  	s4 =	simm.s32 $0x1BF5;
	[smem:$0x3FA6] =	sst s0  }
0x18: {  	s0 =	sld [smem:$0x3F89];
	_ =	swait.ge [sflag:s4], $0x0  }
0x19: {  	s7 =	sld [smem:$0x3F8A]  }
0x1a: {  	s8 =	sadd.s32 $0xFFFFE003, lr  }
0x1b: {  	s9 =	sadd.s32 $0xFFFFFEF7, lr;
	s5 =	simm.s32 $0xFFFFFFFF;
	p2 =	slt.u32 s8, $0xFFFFF086  }
0x1c: {  	p1 =	slt.u32 s9, $0xF7A;
	s5 =	simm.s32 @!p2 $0x0  }
0x1d: {  	s5 =	simm.s32 @p1 $0x1;
	p0 =	seq.s32 s7, s2  }
0x1e: {  	s7 =	smul.u32 @!p0 $0xF7A, s2;
	p2 =	seq.s32 @!p0 s5, $0x0  }
0x1f: {  	s9 =	smul.u32 $0xF7A, s1;
	s8 =	simm.s32 @!p0 $0x1BF5;
	p2 =	por !p2, p0  }
0x20: {  	[sflag:s8] =	ssyncset.s32 @!p0 $0xFFFFF086;
	s6 =	sadd.s32 @!p0 s3, s7;
	s7 =	simm.s32 @!p0 $0x108  }
0x21: {  	s3 =	sadd.s32 s3, s9;
	s6 =	sadd.s32 @!p0 $0x88, s6;
	s7 =	simm.s32 @p2 $0x1082  }
0x22: {  	[simem:s7], [sflag:s8] =	dma.local @!p0 [hbm:s6], $0xF7A  }
0x23: {  	s9 =	sor.u32 $0xD0000000, s2;
	s6 =	simm.s32 $0x108;
	_ =	swait.ge @!p0 [sflag:s8], $0x0  }
0x24: {  	s3 =	sadd.s32 $0x88, s3;
	s6 =	simm.s32 @!p1 $0x1082;
	[sflag:s4] =	ssyncset.s32 $0xFFFFF086  }
0x25: {  	[simem:s6], [sflag:s4] =	dma.local [hbm:s3], $0xF7A  }
0x26: {  	[smem:$0x3F8A] =	sst s1;
	(tag) =	ssettag s2;
	_ =	strace s9  }
0x27: {  	s1 =	sld [smem:$0x3F9A]  }
0x28: {  	s2 =	sld [smem:$0x3F9B]  }
0x29: {  	s4 =	sld [smem:$0x3F9D]  }
0x2a: {  	p0 =	seq.s32 s5, $0x0;
	s5 =	sld [smem:$0x3F9E]  }
0x2b: {  	s6 =	sld [smem:$0x3F9F]  }
0x2c: {  	s7 =	sld [smem:$0x3FA0]  }
0x2d: {  	s3 =	simm.s32 $0x108;
	s8 =	sld [smem:$0x3FA1]  }
0x2e: {  	s3 =	simm.s32 @!p0 $0x1082;
	s9 =	sld [smem:$0x3FA2]  }
0x2f: {  	lr =	sadd.s32 s0, s3;
	s0 =	sld [smem:$0x3F99]  }
0x30: {  	s3 =	sld [smem:$0x3F9C]  }
0x31: {  	[smem:$0x3FA5] =	sst s10  }
0x32: {  	s10 =	sld [smem:$0x3FA3];
	_ =	sdelay $0x3  }
0x33: {  	p0 =	seq.s32 s10, $0x1;
	s10 =	sld [smem:$0x3FA5];
	_ =	sdelay $0x3  }
0x34: {  	[smem:$0x3FA5] =	sst s10  }
0x35: {  	s10 =	sld [smem:$0x3FA4];
	_ =	sdelay $0x3  }
0x36: {  	p1 =	seq.s32 s10, $0x1;
	s10 =	sld [smem:$0x3FA5];
	_ =	sdelay $0x3  }
0x37: {  	[smem:$0x3FA5] =	sst s10  }
0x38: {  	s10 =	sld [smem:$0x3FA6]  }
0x39: {  	_ = 	snop;
	(pc) =	sbr.ind lr, $3  }
0x3a: {  	_ = 	snop  }
0x3b: {  	_ = 	snop  }
0x3c: {  	p2 =	seq.s32 s10, $0x1;
	s10 =	sld [smem:$0x3FA5]  }
0x3d: {  	_ =	shalt  }
0x3e: {  	_ =	shalt  }
0x3f: {  	_ =	shalt  }
0x40: {  	_ =	shalt  }
0x41: {  	_ =	shalt  }
0x42: {  	_ =	shalt  }
0x43: {  	_ =	shalt  }
0x44: {  	_ =	shalt  }
0x45: {  	_ =	shalt  }
0x46: {  	_ =	shalt  }
0x47: {  	_ =	shalt  }
0x48: {  	_ =	shalt  }
0x49: {  	_ =	shalt  }
0x4a: {  	_ =	shalt  }
0x4b: {  	_ =	shalt  }
0x4c: {  	_ =	shalt  }
0x4d: {  	_ =	shalt  }
0x4e: {  	_ =	shalt  }
0x4f: {  	_ =	shalt  }
0x50: {  	_ =	shalt  }
0x51: {  	_ =	shalt  }
0x52: {  	_ =	shalt  }
0x53: {  	_ =	shalt  }
0x54: {  	_ =	shalt  }
0x55: {  	_ =	shalt  }
0x56: {  	_ =	shalt  }
0x57: {  	_ =	shalt  }
0x58: {  	_ =	shalt  }
0x59: {  	_ =	shalt  }
0x5a: {  	_ =	shalt  }
0x5b: {  	_ =	shalt  }
0x5c: {  	_ =	shalt  }
0x5d: {  	_ =	shalt  }
0x5e: {  	_ =	shalt  }
0x5f: {  	_ =	shalt  }
0x60: {  	_ =	shalt  }
0x61: {  	_ =	shalt  }
0x62: {  	_ =	shalt  }
0x63: {  	_ =	shalt  }
0x64: {  	_ =	shalt  }
0x65: {  	_ =	shalt  }
0x66: {  	_ =	shalt  }
0x67: {  	_ =	shalt  }
0x68: {  	_ =	shalt  }
0x69: {  	_ =	shalt  }
0x6a: {  	_ =	shalt  }
0x6b: {  	_ =	shalt  }
0x6c: {  	_ =	shalt  }
0x6d: {  	_ =	shalt  }
0x6e: {  	_ =	shalt  }
0x6f: {  	_ =	shalt  }
0x70: {  	_ =	shalt  }
0x71: {  	_ =	shalt  }
0x72: {  	_ =	shalt  }
0x73: {  	_ =	shalt  }
0x74: {  	_ =	shalt  }
0x75: {  	_ =	shalt  }
0x76: {  	_ =	shalt  }
0x77: {  	_ =	shalt  }
0x78: {  	_ =	shalt  }
0x79: {  	_ =	shalt  }
0x7a: {  	_ =	shalt  }
0x7b: {  	_ =	shalt  }
0x7c: {  	_ =	shalt  }
0x7d: {  	_ =	shalt  }
0x7e: {  	_ =	shalt  }
0x7f: {  	_ =	shalt  }
0x80: {  	_ =	shalt  }
0x81: {  	_ =	shalt  }
0x82: {  	_ =	shalt  }
0x83: {  	_ =	shalt  }
0x84: {  	_ =	shalt  }
0x85: {  	_ =	shalt  }
0x86: {  	_ =	shalt  }
0x87: {  	_ =	shalt  }
.Lfunc_end0:
.L_simem_size_0:
called_computation.1_lowered:
.L_overlay_start_0:
0x88: {  	s0 =	sld [smem:$0x3FD9]  }
0x89: {  	s1 =	sld [smem:$0x3FFE];
	_ =	sdelay $0x3  }
0x8a: {  	s0 =	sadd.s32 s1, s0  }
0x8b: {  	[smem:$0x3FB1] =	sst s0  }
0x8c: {  	_ = 	snop  }
0x8d: {  	s0 =	sld [smem:$0x3FD0];
	(tm) =	ssettm $0x1  }
0x8e: {  	s16 =	sld [smem:$0x3FFB];
	_ =	sdelay $0x3  }
0x8f: {  	_ =	strace s16  }
0x90: {  	s1 =	sld [smem:$0x3FFC];
	_ =	sdelay $0x3  }
0x91: {  	_ =	strace s1  }
0x92: {  	s1 =	sld [smem:$0x3FFD];
	_ =	sdelay $0x3  }
0x93: {  	_ =	strace s1  }
0x94: {  	_ =	strace $0x8FFFFFFF  }
0x95: {  	s17 =	sld [smem:$0x3FDB];
	_ =	sdelay $0x1  }
0x96: {  	s2 =	simm.s32 $_scs_section_size  }
0x97: {  	s3 =	simm.s32 $_size__tile_overlayer_lowered;
	s4 =	simm.s32 $_tile_overlayer_lowered  }
0x98: {  	s20 =	simm.s32 $0x1BFF;
	s19 =	sshll.u32 s4, $0x1;
	s1 =	sadd.s32 s2, s17  }
0x99: {  	s5 =	simm.s32 $0x0;
	s18 =	sshll.u32 s3, $0x1;
	s3 =	sadd.s32 s19, s1  }
0x9a: {  	[timem:s5], [sflag:s20] =	dma.local [hbm:s3], s18  }
0x9b: {  	_ =	swait.ge [sflag:s20], s18  }
0x9c: {  	s2 =	ssub.s32 $0x0, s18;
	[sflag:s20] =	ssyncset.done $0x0  }
0x9d: {  	[sflag:s20] =	ssyncadd.s32 s2;
	_ =	sdelay $0x1  }
0x9e: {  	s21 =	simm.s32 $0x1B8B  }
0x9f: {  	_ =	swait.ge [sflag:s21], $0x1  }
0xa0: {  	[sflag:s21] =	ssyncset.done $0x0  }
0xa1: {  	s23 =	simm.s32 $0x1B8E;
	s22 =	sld [smem:$0x3FFE];
	[sflag:s21] =	ssyncadd.s32 $0xFFFFFFFF  }
0xa2: {  	s24 =	simm.s32 $execute0_lowered;
	[smem:$0x3FD2] =	sst s23  }
0xa3: {  	s3 =	sshll.u32 s24, $0x1;
	_ =	strace $0x80000046;
	[dreg:$0x1] =	wrdreg $0xFFFFFFFF  }
0xa4: {  	s25 =	simm.s32 $_size_execute0_lowered;
	s1 =	sadd.s32 s1, s3;
	[dreg:$0x0] =	wrdreg $0x0  }
0xa5: {  	s3 =	sshll.u32 s25, $0x1;
	[dreg:$0x2] =	wrdreg s1  }
0xa6: {  	[dreg:$0x3] =	wrdreg s3  }
0xa7: {  	[dreg:$0x4] =	wrdreg $0xC0  }
0xa8: {  	_ =	task [dreg:s5], $0x5FFFF  }
0xa9: {  	[dreg:$0x1] =	wrdreg $0xFFFFFFFF  }
0xaa: {  	[dreg:$0x0] =	wrdreg $0x60  }
0xab: {  	[dreg:$0x2] =	wrdreg s0  }
0xac: {  	[dreg:$0x3] =	wrdreg s22  }
0xad: {  	[dreg:$0x4] =	wrdreg $0xA  }
0xae: {  	_ =	task.clear_ibuf [dreg:s5], $0x5FFFF;
	_ =	strace $0x90000046  }
0xaf: {  	s26 =	simm.s32 $0xA;
	_ =	strace $0x80000048  }
0xb0: {  	_ =	swait.ge [sflag:s26], $0x1  }
0xb1: {  	[sflag:s26] =	ssyncadd.s32 $0xFFFFFFFF  }
0xb2: {  	_ =	strace $0x90000048  }
0xb3: {  	_ =	sfence  }
0xb4: {  	s28 =	sld [smem:$0x0];
	_ =	sdelay $0x1  }
0xb5: {  	s29 =	srdreg.scid  }
0xb6: {  	s30 =	sshll.u32 s29, $0xD;
	s31 =	sshrl.u32 s29, $0x2  }
0xb7: {  	s2 =	sand.u32 $0x4000, s30;
	s1 =	sand.u32 $0x1, s29;
	s0 =	sadd.s32 s31, s28  }
0xb8: {  	s1 =	sor.u32 s2, s1;
	s0 =	sshll.u32 s0, $0x11  }
0xb9: {  	s0 =	sor.u32 s0, s1  }
0xba: {  	s0 =	sadd.s32 $0x8F2B, s0  }
0xbb: {  	[sflag:s0] =	ssyncadd.remote.s32 $0x1  }
0xbc: {  	_ =	sfence.sel $0xFFFF  }
0xbd: {  	[dreg:$0x0] =	wrdreg $0xFFFFFFFF;
	(pc) =	sbr.abs _section_cstart, $3  }
0xbe: {  	[dreg:$0x1] =	wrdreg $0xFFFFFFFF  }
0xbf: {  	_ =	task.clear_ibuf [dreg:s5], $0x2FFFF;
	_ =	strace $0x9FFFFFFF  }
0xc0: {  	(tm) =	ssettm $0x7FFFFFFF  }
0xc1: {  	_ =	shalt  }
tec
execute0_lowered:
.L_overlay_start_1:
0x0: {  	(tag) =	ssettag $0x1  }
0x1: {  	s0 =	stileid.u32  }
0x2: {  	s1 =	smin.u32 s0, $0x9  }
0x3: {  	s1 =	sadd.s32 s0, s1  }
0x4: {  	s2 =	simm.s32 $0x320;
	p0 =	slt.u32 s0, $0x9;
	s1 =	smul.u32 $0x190, s1  }
0x5: {  	s2 =	simm.s32 @!p0 $0x190  }
0x6: {  	s2 =	sadd.s32 s2, s1  }
0x7: {  	s3 =	smin.u32 s2, $0x2710  }
0x8: {  	s7 =	ssub.s32 s3, s1  }
0x9: {  	p0 =	sgt.s32 s7, $0x0  }
0xa: {  	s7 =	simm.s32 @!p0 $0x0  }
0xb: {  	s31 =	sand.u32 $0xFFF0, s7  }
0xc: {  	s2 =	sshrl.u32 s31, $0x4  }
0xd: {  	s4 =	rddreg [dreg:$0x0];
	s2 =	smul.u32 $0xA3E, s2  }
0xe: {  	s5 =	rddreg [dreg:$0x1]  }
0xf: {  	s6 =	simm.s32 $0x1;
	s10 =	simm.s32 $0x3;
	s8 =	sshrl.u32 s2, $0x10  }
0x10: {  	s13 =	simm.s32 $0x0;
	s12 =	simm.s32 $0x0;
	s9 =	smul.u32 $0x190, s8  }
.Ltmp0:
0x11: {  	s11 =	smov.u32 s1;
	s2 =	rddreg [dreg:$0x2];
	(pc) =	sbr.rel .LBB2_1-.Ltmp0, $4  }
0x12: {  	_ =	strace $0x80000047;
	p0 =	sne.s32 s7, s9;
	s9 =	simm.s32 $0x1  }
0x13: {  	[sflag:s6] =	ssyncpa.u1 $0x0;
	s7 =	simm.s32 $0x2;
	s9 =	simm.s32 @!p0 $0x0  }
0x14: {  	[sflag:s7] =	ssyncpa.u1 $0x0;
	p0 =	por $0x0, $0x0;
	s8 =	sadd.s32 s8, s9  }
0x15: {  	vm0 =	vmmov $0xff;
	vm1 =	vcmask $0x3F20;
	s9 =	sadd.s32 $0x600, s5;
	[sflag:s10] =	ssyncpa.u1 $0x0;
	s10 =	sadd.s32 $0x1, s8  }
.LBB2_6:
0x16: {  	[hbm:s17] =	stream.linear.scatter [tilespmem:s14], [sflag:$0x3], $0x400, $0x38;
	[tilespmem:$0x19320] =	vst v63  }
.LBB2_7:
0x17: {  	s13 =	sadd.s32 $0x190, s11  }
0x18: {  	s15 =	smov.u32 s1;
	p2 =	slt.s32 s13, s3  }
0x19: {  	s15 =	smov.u32 @p2 s13;
	p2 =	sne.s32 s12, s10  }
.Ltmp1:
0x1a: {  	p1 =	slt.u32 s12, $0x2;
	(pc) =	sbr.rel @!p2 .LBB2_8-.Ltmp1, $4  }
0x1b: {  	s14 =	simm.s32 @!p1 $0x3  }
0x1c: {  	s16 =	sadd.s32 $0x1, s12;
	_ =	swait.ge @!p1 [sflag:s14], $0xC800  }
0x1d: {  	p0 =	por !p0, !p0;
	s13 =	smov.u32 s11;
	[sflag:s14] =	ssyncset.done @!p1 $0x0  }
0x1e: {  	s12 =	smov.u32 s16;
	s11 =	smov.u32 s15;
	[sflag:s14] =	ssyncadd.s32 @!p1 $0xFFFF3800  }
.LBB2_1:
0x1f: {  	p1 =	sge.u32 s12, s8  }
0x20: {  	s14 =	sxor.u32 @!p1 $0xFFFFFFFF, s12  }
0x21: {  	s14 =	sand.u32 @!p1 $0x1, s14  }
0x22: {  	s14 =	smul.u32 @!p1 $0x640, s14  }
0x23: {  	s31 =	sadd.s32 $0xFFFFFFFF, s12;
	s15 =	sshrl.u32 @!p1 s11, $0x3  }
0x24: {  	s16 =	sand.u32 @!p1 $0x7, s11;
	s15 =	sadd.s32 @!p1 s5, s15;
	s14 =	sshrl.u32 @!p1 s14, $0x2  }
0x25: {  	[tilespmem:s14], [sflag:$0x2] =	stream.linear.gather @!p1 [hbm4b:s15+s16], $0x190, $0x38;
	[tilespmem:$0x19320] =	vst v63  }
0x26: {  	p1 =	sge.u32 s31, s8  }
.Ltmp2:
0x27: {  	_ = 	snop;
	(pc) =	sbr.rel @p1 .LBB2_7-.Ltmp2, $1  }
0x28: {  	_ =	sdelay $0x3  }
0x29: {  	s14 =	simm.s32 $0x1  }
0x2a: {  	s14 =	simm.s32 @!p0 $0x0  }
0x2b: {  	s15 =	smul.u32 $0x640, s14  }
0x2c: {  	_ =	swait.ge [sflag:s7], $0x190  }
0x2d: {  	[sflag:s7] =	ssyncset.done $0x0;
	s16 =	sshrl.u32 s15, $0x2  }
0x2e: {  	[sflag:s7] =	ssyncadd.s32 $0xFFFFFE70;
	s15 =	sadd.s32 $0x0, s16  }
0x2f: {  	v0 =	vld.msk [tilespmem:s15+$0x0 ss:$0x1], $0xffff;
	_ =	sdelay $0x4  }
0x30: {  	vm2 =	vgt.s32 v0, $0x0  }
0x31: {  	v0 =	vnsel vm2, $0x0, v0  }
0x32: {  	v0 =	vmin.u32 v0, $0x270F  }
0x33: {  	v0 =	vshll.u32 v0, $0x4  }
0x34: {  	s14 =	smul.u32 $0x32000, s14;
	_ =	sdelay $0x1  }
0x35: {  	s14 =	sshrl.u32 s14, $0x2  }
0x36: {  	s14 =	sor.u32 $0x320, s14  }
0x37: {  	[tilespmem:s14], [sflag:$0x1] =	stream.indirect_vreg.gather [hbm:s4], $0x80, v0, vm0, $0x38;
	[tilespmem:$0x19320] =	vst v63  }
0x38: {  	s17 =	sadd.s32 $0x10, s16;
	s15 =	sadd.s32 $0x400, s14  }
0x39: {  	[tilespmem:s15], [sflag:$0x1] =	stream.indirect_vreg.gather [hbm:s4], $0x80, v0, vm1, $0x38;
	[tilespmem:$0x19320] =	vst v63  }
0x3a: {  	s18 =	simm.s32 $0x80;
	v0 =	vld.msk [tilespmem:s17+$0x0 ss:$0x1], $0xffff;
	s17 =	smov.u32 s14  }
.LBB2_3:
0x3b: {  	p1 =	sne.s32 s18, $0x600;
	_ =	sdelay $0x4  }
0x3c: {  	vm2 =	vgt.s32 v0, $0x0  }
0x3d: {  	v0 =	vnsel vm2, $0x0, v0  }
0x3e: {  	v0 =	vmin.u32 v0, $0x270F  }
0x3f: {  	v0 =	vshll.u32 v0, $0x4;
	_ =	sdelay $0x3  }
.Ltmp3:
0x40: {  	s19 =	sshra.s32 s18, $0x2;
	s17 =	sadd.s32 $0x800, s17;
	(pc) =	sbr.rel @p1 .LBB2_3-.Ltmp3, $4  }
0x41: {  	[tilespmem:s17], [sflag:$0x1] =	stream.indirect_vreg.gather [hbm:s4], $0x80, v0, vm0, $0x38;
	[tilespmem:$0x19320] =	vst v63  }
0x42: {  	s19 =	sadd.s32 s19, s16;
	s20 =	sadd.s32 $0x400, s17  }
0x43: {  	[tilespmem:s20], [sflag:$0x1] =	stream.indirect_vreg.gather [hbm:s4], $0x80, v0, vm1, $0x38;
	[tilespmem:$0x19320] =	vst v63  }
0x44: {  	s18 =	sadd.s32 $0x40, s18;
	v0 =	vld.msk [tilespmem:s19+$0x0 ss:$0x1], $0xffff  }
0x45: {  	_ =	sdelay $0x3  }
0x46: {  	vm2 =	vgt.s32 v0, $0x0  }
0x47: {  	v0 =	vnsel vm2, $0x0, v0  }
0x48: {  	v0 =	vmin.u32 v0, $0x270F  }
0x49: {  	v0 =	vshll.u32 v0, $0x4;
	_ =	sdelay $0x3  }
0x4a: {  	s16 =	sadd.s32 $0x800, s17  }
0x4b: {  	[tilespmem:s16], [sflag:$0x1] =	stream.indirect_vreg.gather [hbm:s4], $0x80, v0, vm0, $0x38;
	[tilespmem:$0x19320] =	vst v63  }
0x4c: {  	s16 =	sadd.s32 $0x400, s16  }
0x4d: {  	[tilespmem:s16], [sflag:$0x1] =	stream.indirect_vreg.gather [hbm:s4], $0x80, v0, vm1, $0x38;
	[tilespmem:$0x19320] =	vst v63  }
0x4e: {  	s13 =	sshll.u32 s13, $0x4;
	_ =	swait.ge [sflag:s6], $0xC800  }
0x4f: {  	s13 =	sadd.s32 s13, s9;
	[sflag:s6] =	ssyncset.done $0x0  }
0x50: {  	s17 =	sadd.s32 $0x0, s13;
	s16 =	simm.s32 $0x80;
	[sflag:s6] =	ssyncadd.s32 $0xFFFF3800  }
.LBB2_5:
0x51: {  	[hbm:s17] =	stream.linear.scatter [tilespmem:s14], [sflag:$0x3], $0x400, $0x38;
	[tilespmem:$0x19320] =	vst v63  }
0x52: {  	s17 =	smov.u32 s16;
	s14 =	smov.u32 s15;
	p1 =	sne.s32 s16, $0x1880  }
.Ltmp4:
0x53: {  	s16 =	sadd.s32 $0x80, s16;
	(pc) =	sbr.rel @p1 .LBB2_5-.Ltmp4, $2  }
0x54: {  	_ =	sdelay $0x2  }
0x55: {  	s15 =	sadd.s32 $0x400, s15;
	s17 =	sadd.s32 s17, s13  }
.Ltmp5:
0x56: {  	_ = 	snop;
	(pc) =	sbr.rel .LBB2_6-.Ltmp5, $1  }
0x57: {  	_ =	sdelay $0x3  }
.LBB2_8:
0x58: {  	_ =	sfence.sel $0x180000  }
0x59: {  	s1 =	simm.s32 $0x2;
	[bflag:$0x0] =	sbarrier.arrive $0xFFFF  }
0x5a: {  	s30 =	simm.s32 $0x3;
	[sflag:s1] =	ssyncpa.u1 $0x1  }
0x5b: {  	s31 =	simm.s32 $0x1;
	[sflag:s30] =	ssyncpa.u1 $0x1  }
0x5c: {  	[sflag:s31] =	ssyncpa.u1 $0x1  }
0x5d: {  	p0 =	sne.s32 s0, $0x0;
	_ =	strace $0x90000047  }
0x5e: {  	s0 =	sadd.s32 @!p0 $0x100000, s2;
	[bflag:$0x2] =	sbarrier.arrive $0xFFFF  }
0x5f: {  	[sflag:s0] =	ssyncadd.tile.s32 @!p0 $0x1;
	_ =	shalt  }
.Lfunc_end2:
_tile_overlayer_lowered:
.L_overlay_start_2:
0x60: {  	(tag) =	ssettag $0x2  }
0x61: {  	s0 =	rddreg [dreg:$0x0];
	s2 =	stileid.u32  }
0x62: {  	s1 =	rddreg [dreg:$0x1];
	p0 =	sne.s32 s2, $0x0  }
0x63: {  	s3 =	rddreg [dreg:$0x2];
	[bflag:$0x3] =	sbarrier.arrive $0xFFFF;
	s2 =	simm.s32 @!p0 $0x1C01  }
0x64: {  	[timem:s3], [sflag:s2] =	dma.local @!p0 [hbm:s0], s1  }
0x65: {  	s0 =	simm.s32 @!p0 $0x1  }
0x66: {  	_ =	swait.ge @!p0 [sflag:s0], s1  }
0x67: {  	s1 =	ssub.s32 @!p0 $0x0, s1;
	[sflag:s0] =	ssyncset.done @!p0 $0x0  }
0x68: {  	[sflag:s0] =	ssyncadd.s32 @!p0 s1  }
0x69: {  	[bflag:$0x3] =	sbarrier.arrive $0xFFFF  }
0x6a: {  	_ =	shalt  }

// kernel: gather_offload_async_start.2
scs
__scs_entry_jumppad:
0x0: {  	(pc) =	sbr.rel $0x88, $3  }
0x1: {  	(tag) =	ssettag $0x0;
	lr =	simm.s32 $0x1  }
0x2: {  	[smem:$0x3F8A] =	sst lr;
	_ =	strace $0xD0000000  }
0x3: {  	_ = 	snop  }
0x4: {  	_ = 	snop  }
0x5: {  	_ = 	snop  }
0x6: {  	_ = 	snop  }
0x7: {  	_ = 	snop  }
__scs_overlays_trampoline_lowered:
0x8: {  	[smem:$0x3F99] =	sst s0  }
0x9: {  	[smem:$0x3F9A] =	sst s1  }
0xa: {  	[smem:$0x3F9B] =	sst s2  }
0xb: {  	[smem:$0x3F9C] =	sst s3  }
0xc: {  	[smem:$0x3F9D] =	sst s4  }
0xd: {  	[smem:$0x3F9E] =	sst s5  }
0xe: {  	[smem:$0x3F9F] =	sst s6  }
0xf: {  	[smem:$0x3FA0] =	sst s7  }
0x10: {  	[smem:$0x3FA1] =	sst s8  }
0x11: {  	[smem:$0x3FA2] =	sst s9;
	s0 =	simm.s32 @!p0 $0x0  }
0x12: {  	s1 =	sld [smem:$0x3F88];
	s0 =	simm.s32 @p0 $0x1  }
0x13: {  	[smem:$0x3FA3] =	sst s0;
	s0 =	simm.s32 @!p1 $0x0  }
0x14: {  	s2 =	sld [smem:$0x3F87];
	s0 =	simm.s32 @p1 $0x1  }
0x15: {  	[smem:$0x3FA4] =	sst s0;
	s0 =	simm.s32 @!p2 $0x0  }
0x16: {  	s3 =	sld [smem:$0x3FDB];
	s0 =	simm.s32 @p2 $0x1  }
0x17: {  	s4 =	simm.s32 $0x1BF5;
	[smem:$0x3FA6] =	sst s0  }
0x18: {  	s0 =	sld [smem:$0x3F89];
	_ =	swait.ge [sflag:s4], $0x0  }
0x19: {  	s7 =	sld [smem:$0x3F8A]  }
0x1a: {  	s8 =	sadd.s32 $0xFFFFE003, lr  }
0x1b: {  	s9 =	sadd.s32 $0xFFFFFEF7, lr;
	s5 =	simm.s32 $0xFFFFFFFF;
	p2 =	slt.u32 s8, $0xFFFFF086  }
0x1c: {  	p1 =	slt.u32 s9, $0xF7A;
	s5 =	simm.s32 @!p2 $0x0  }
0x1d: {  	s5 =	simm.s32 @p1 $0x1;
	p0 =	seq.s32 s7, s2  }
0x1e: {  	s7 =	smul.u32 @!p0 $0xF7A, s2;
	p2 =	seq.s32 @!p0 s5, $0x0  }
0x1f: {  	s9 =	smul.u32 $0xF7A, s1;
	s8 =	simm.s32 @!p0 $0x1BF5;
	p2 =	por !p2, p0  }
0x20: {  	[sflag:s8] =	ssyncset.s32 @!p0 $0xFFFFF086;
	s6 =	sadd.s32 @!p0 s3, s7;
	s7 =	simm.s32 @!p0 $0x108  }
0x21: {  	s3 =	sadd.s32 s3, s9;
	s6 =	sadd.s32 @!p0 $0x88, s6;
	s7 =	simm.s32 @p2 $0x1082  }
0x22: {  	[simem:s7], [sflag:s8] =	dma.local @!p0 [hbm:s6], $0xF7A  }
0x23: {  	s9 =	sor.u32 $0xD0000000, s2;
	s6 =	simm.s32 $0x108;
	_ =	swait.ge @!p0 [sflag:s8], $0x0  }
0x24: {  	s3 =	sadd.s32 $0x88, s3;
	s6 =	simm.s32 @!p1 $0x1082;
	[sflag:s4] =	ssyncset.s32 $0xFFFFF086  }
0x25: {  	[simem:s6], [sflag:s4] =	dma.local [hbm:s3], $0xF7A  }
0x26: {  	[smem:$0x3F8A] =	sst s1;
	(tag) =	ssettag s2;
	_ =	strace s9  }
0x27: {  	s1 =	sld [smem:$0x3F9A]  }
0x28: {  	s2 =	sld [smem:$0x3F9B]  }
0x29: {  	s4 =	sld [smem:$0x3F9D]  }
0x2a: {  	p0 =	seq.s32 s5, $0x0;
	s5 =	sld [smem:$0x3F9E]  }
0x2b: {  	s6 =	sld [smem:$0x3F9F]  }
0x2c: {  	s7 =	sld [smem:$0x3FA0]  }
0x2d: {  	s3 =	simm.s32 $0x108;
	s8 =	sld [smem:$0x3FA1]  }
0x2e: {  	s3 =	simm.s32 @!p0 $0x1082;
	s9 =	sld [smem:$0x3FA2]  }
0x2f: {  	lr =	sadd.s32 s0, s3;
	s0 =	sld [smem:$0x3F99]  }
0x30: {  	s3 =	sld [smem:$0x3F9C]  }
0x31: {  	[smem:$0x3FA5] =	sst s10  }
0x32: {  	s10 =	sld [smem:$0x3FA3];
	_ =	sdelay $0x3  }
0x33: {  	p0 =	seq.s32 s10, $0x1;
	s10 =	sld [smem:$0x3FA5];
	_ =	sdelay $0x3  }
0x34: {  	[smem:$0x3FA5] =	sst s10  }
0x35: {  	s10 =	sld [smem:$0x3FA4];
	_ =	sdelay $0x3  }
0x36: {  	p1 =	seq.s32 s10, $0x1;
	s10 =	sld [smem:$0x3FA5];
	_ =	sdelay $0x3  }
0x37: {  	[smem:$0x3FA5] =	sst s10  }
0x38: {  	s10 =	sld [smem:$0x3FA6]  }
0x39: {  	_ = 	snop;
	(pc) =	sbr.ind lr, $3  }
0x3a: {  	_ = 	snop  }
0x3b: {  	_ = 	snop  }
0x3c: {  	p2 =	seq.s32 s10, $0x1;
	s10 =	sld [smem:$0x3FA5]  }
0x3d: {  	_ =	shalt  }
0x3e: {  	_ =	shalt  }
0x3f: {  	_ =	shalt  }
0x40: {  	_ =	shalt  }
0x41: {  	_ =	shalt  }
0x42: {  	_ =	shalt  }
0x43: {  	_ =	shalt  }
0x44: {  	_ =	shalt  }
0x45: {  	_ =	shalt  }
0x46: {  	_ =	shalt  }
0x47: {  	_ =	shalt  }
0x48: {  	_ =	shalt  }
0x49: {  	_ =	shalt  }
0x4a: {  	_ =	shalt  }
0x4b: {  	_ =	shalt  }
0x4c: {  	_ =	shalt  }
0x4d: {  	_ =	shalt  }
0x4e: {  	_ =	shalt  }
0x4f: {  	_ =	shalt  }
0x50: {  	_ =	shalt  }
0x51: {  	_ =	shalt  }
0x52: {  	_ =	shalt  }
0x53: {  	_ =	shalt  }
0x54: {  	_ =	shalt  }
0x55: {  	_ =	shalt  }
0x56: {  	_ =	shalt  }
0x57: {  	_ =	shalt  }
0x58: {  	_ =	shalt  }
0x59: {  	_ =	shalt  }
0x5a: {  	_ =	shalt  }
0x5b: {  	_ =	shalt  }
0x5c: {  	_ =	shalt  }
0x5d: {  	_ =	shalt  }
0x5e: {  	_ =	shalt  }
0x5f: {  	_ =	shalt  }
0x60: {  	_ =	shalt  }
0x61: {  	_ =	shalt  }
0x62: {  	_ =	shalt  }
0x63: {  	_ =	shalt  }
0x64: {  	_ =	shalt  }
0x65: {  	_ =	shalt  }
0x66: {  	_ =	shalt  }
0x67: {  	_ =	shalt  }
0x68: {  	_ =	shalt  }
0x69: {  	_ =	shalt  }
0x6a: {  	_ =	shalt  }
0x6b: {  	_ =	shalt  }
0x6c: {  	_ =	shalt  }
0x6d: {  	_ =	shalt  }
0x6e: {  	_ =	shalt  }
0x6f: {  	_ =	shalt  }
0x70: {  	_ =	shalt  }
0x71: {  	_ =	shalt  }
0x72: {  	_ =	shalt  }
0x73: {  	_ =	shalt  }
0x74: {  	_ =	shalt  }
0x75: {  	_ =	shalt  }
0x76: {  	_ =	shalt  }
0x77: {  	_ =	shalt  }
0x78: {  	_ =	shalt  }
0x79: {  	_ =	shalt  }
0x7a: {  	_ =	shalt  }
0x7b: {  	_ =	shalt  }
0x7c: {  	_ =	shalt  }
0x7d: {  	_ =	shalt  }
0x7e: {  	_ =	shalt  }
0x7f: {  	_ =	shalt  }
0x80: {  	_ =	shalt  }
0x81: {  	_ =	shalt  }
0x82: {  	_ =	shalt  }
0x83: {  	_ =	shalt  }
0x84: {  	_ =	shalt  }
0x85: {  	_ =	shalt  }
0x86: {  	_ =	shalt  }
0x87: {  	_ =	shalt  }
.Lfunc_end0:
.L_simem_size_0:
called_computation.2_lowered:
.L_overlay_start_0:
0x88: {  	s0 =	sld [smem:$0x3FD9]  }
0x89: {  	s1 =	sld [smem:$0x3FFE];
	_ =	sdelay $0x3  }
0x8a: {  	s0 =	sadd.s32 s1, s0  }
0x8b: {  	[smem:$0x3FB1] =	sst s0  }
0x8c: {  	_ = 	snop  }
0x8d: {  	s0 =	sld [smem:$0x3FD0];
	(tm) =	ssettm $0x1  }
0x8e: {  	s16 =	sld [smem:$0x3FFB];
	_ =	sdelay $0x3  }
0x8f: {  	_ =	strace s16  }
0x90: {  	s1 =	sld [smem:$0x3FFC];
	_ =	sdelay $0x3  }
0x91: {  	_ =	strace s1  }
0x92: {  	s1 =	sld [smem:$0x3FFD];
	_ =	sdelay $0x3  }
0x93: {  	_ =	strace s1  }
0x94: {  	_ =	strace $0x8FFFFFFF  }
0x95: {  	s17 =	sld [smem:$0x3FDB];
	_ =	sdelay $0x1  }
0x96: {  	s2 =	simm.s32 $_scs_section_size  }
0x97: {  	s3 =	simm.s32 $_size__tile_overlayer_lowered;
	s4 =	simm.s32 $_tile_overlayer_lowered  }
0x98: {  	s20 =	simm.s32 $0x1BFF;
	s19 =	sshll.u32 s4, $0x1;
	s1 =	sadd.s32 s2, s17  }
0x99: {  	s5 =	simm.s32 $0x0;
	s18 =	sshll.u32 s3, $0x1;
	s3 =	sadd.s32 s19, s1  }
0x9a: {  	[timem:s5], [sflag:s20] =	dma.local [hbm:s3], s18  }
0x9b: {  	_ =	swait.ge [sflag:s20], s18  }
0x9c: {  	s2 =	ssub.s32 $0x0, s18;
	[sflag:s20] =	ssyncset.done $0x0  }
0x9d: {  	[sflag:s20] =	ssyncadd.s32 s2;
	_ =	sdelay $0x1  }
0x9e: {  	s21 =	simm.s32 $0x1B8B  }
0x9f: {  	_ =	swait.ge [sflag:s21], $0x1  }
0xa0: {  	[sflag:s21] =	ssyncset.done $0x0  }
0xa1: {  	s23 =	simm.s32 $0x1B8E;
	s22 =	sld [smem:$0x3FFE];
	[sflag:s21] =	ssyncadd.s32 $0xFFFFFFFF  }
0xa2: {  	s24 =	simm.s32 $execute0_lowered;
	[smem:$0x3FD2] =	sst s23  }
0xa3: {  	s3 =	sshll.u32 s24, $0x1;
	_ =	strace $0x8000004C;
	[dreg:$0x1] =	wrdreg $0xFFFFFFFF  }
0xa4: {  	s25 =	simm.s32 $_size_execute0_lowered;
	s1 =	sadd.s32 s1, s3;
	[dreg:$0x0] =	wrdreg $0x0  }
0xa5: {  	s3 =	sshll.u32 s25, $0x1;
	[dreg:$0x2] =	wrdreg s1  }
0xa6: {  	[dreg:$0x3] =	wrdreg s3  }
0xa7: {  	[dreg:$0x4] =	wrdreg $0xC0  }
0xa8: {  	_ =	task [dreg:s5], $0x5FFFF  }
0xa9: {  	[dreg:$0x1] =	wrdreg $0xFFFFFFFF  }
0xaa: {  	[dreg:$0x0] =	wrdreg $0x60  }
0xab: {  	[dreg:$0x2] =	wrdreg s22  }
0xac: {  	[dreg:$0x3] =	wrdreg s0  }
0xad: {  	[dreg:$0x4] =	wrdreg $0x9  }
0xae: {  	_ =	task.clear_ibuf [dreg:s5], $0x5FFFF;
	_ =	strace $0x9000004C  }
0xaf: {  	s26 =	simm.s32 $0x9;
	_ =	strace $0x8000004E  }
0xb0: {  	_ =	swait.ge [sflag:s26], $0x1  }
0xb1: {  	[sflag:s26] =	ssyncadd.s32 $0xFFFFFFFF  }
0xb2: {  	_ =	strace $0x9000004E  }
0xb3: {  	_ =	sfence  }
0xb4: {  	s28 =	sld [smem:$0x0];
	_ =	sdelay $0x1  }
0xb5: {  	s29 =	srdreg.scid  }
0xb6: {  	s30 =	sshll.u32 s29, $0xD;
	s31 =	sshrl.u32 s29, $0x2  }
0xb7: {  	s2 =	sand.u32 $0x4000, s30;
	s1 =	sand.u32 $0x1, s29;
	s0 =	sadd.s32 s31, s28  }
0xb8: {  	s1 =	sor.u32 s2, s1;
	s0 =	sshll.u32 s0, $0x11  }
0xb9: {  	s0 =	sor.u32 s0, s1  }
0xba: {  	s0 =	sadd.s32 $0x8F2B, s0  }
0xbb: {  	[sflag:s0] =	ssyncadd.remote.s32 $0x1  }
0xbc: {  	_ =	sfence.sel $0xFFFF  }
0xbd: {  	[dreg:$0x0] =	wrdreg $0xFFFFFFFF;
	(pc) =	sbr.abs _section_cstart, $3  }
0xbe: {  	[dreg:$0x1] =	wrdreg $0xFFFFFFFF  }
0xbf: {  	_ =	task.clear_ibuf [dreg:s5], $0x2FFFF;
	_ =	strace $0x9FFFFFFF  }
0xc0: {  	(tm) =	ssettm $0x7FFFFFFF  }
0xc1: {  	_ =	shalt  }
tec
execute0_lowered:
.L_overlay_start_1:
0x0: {  	(tag) =	ssettag $0x1  }
0x1: {  	s0 =	stileid.u32  }
0x2: {  	s1 =	smin.u32 s0, $0x9  }
0x3: {  	s1 =	sadd.s32 s0, s1  }
0x4: {  	s2 =	simm.s32 $0x320;
	p0 =	slt.u32 s0, $0x9;
	s1 =	smul.u32 $0x190, s1  }
0x5: {  	s2 =	simm.s32 @!p0 $0x190  }
0x6: {  	s2 =	sadd.s32 s2, s1  }
0x7: {  	s3 =	smin.u32 s2, $0x2710  }
0x8: {  	s7 =	ssub.s32 s3, s1  }
0x9: {  	p0 =	sgt.s32 s7, $0x0  }
0xa: {  	s7 =	simm.s32 @!p0 $0x0  }
0xb: {  	s31 =	sand.u32 $0xFFF0, s7  }
0xc: {  	s2 =	sshrl.u32 s31, $0x4  }
0xd: {  	s4 =	rddreg [dreg:$0x0];
	s2 =	smul.u32 $0xA3E, s2  }
0xe: {  	s5 =	rddreg [dreg:$0x1]  }
0xf: {  	s6 =	simm.s32 $0x1;
	s10 =	simm.s32 $0x3;
	s8 =	sshrl.u32 s2, $0x10  }
0x10: {  	s13 =	simm.s32 $0x0;
	s12 =	simm.s32 $0x0;
	s9 =	smul.u32 $0x190, s8  }
.Ltmp0:
0x11: {  	s11 =	smov.u32 s1;
	s2 =	rddreg [dreg:$0x2];
	(pc) =	sbr.rel .LBB2_1-.Ltmp0, $4  }
0x12: {  	_ =	strace $0x8000004D;
	p0 =	sne.s32 s7, s9;
	s9 =	simm.s32 $0x1  }
0x13: {  	[sflag:s6] =	ssyncpa.u1 $0x0;
	s7 =	simm.s32 $0x2;
	s9 =	simm.s32 @!p0 $0x0  }
0x14: {  	[sflag:s7] =	ssyncpa.u1 $0x0;
	p0 =	por $0x0, $0x0;
	s8 =	sadd.s32 s8, s9  }
0x15: {  	vm0 =	vmmov $0xff;
	vm1 =	vcmask $0x3F20;
	s9 =	sadd.s32 $0x4EC00, s4;
	[sflag:s10] =	ssyncpa.u1 $0x0;
	s10 =	sadd.s32 $0x1, s8  }
.LBB2_6:
0x16: {  	[hbm:s17] =	stream.linear.scatter [tilespmem:s14], [sflag:$0x3], $0x400, $0x38;
	[tilespmem:$0x19320] =	vst v63  }
.LBB2_7:
0x17: {  	s13 =	sadd.s32 $0x190, s11  }
0x18: {  	s15 =	smov.u32 s1;
	p2 =	slt.s32 s13, s3  }
0x19: {  	s15 =	smov.u32 @p2 s13;
	p2 =	sne.s32 s12, s10  }
.Ltmp1:
0x1a: {  	p1 =	slt.u32 s12, $0x2;
	(pc) =	sbr.rel @!p2 .LBB2_8-.Ltmp1, $4  }
0x1b: {  	s14 =	simm.s32 @!p1 $0x3  }
0x1c: {  	s16 =	sadd.s32 $0x1, s12;
	_ =	swait.ge @!p1 [sflag:s14], $0xC800  }
0x1d: {  	p0 =	por !p0, !p0;
	s13 =	smov.u32 s11;
	[sflag:s14] =	ssyncset.done @!p1 $0x0  }
0x1e: {  	s12 =	smov.u32 s16;
	s11 =	smov.u32 s15;
	[sflag:s14] =	ssyncadd.s32 @!p1 $0xFFFF3800  }
.LBB2_1:
0x1f: {  	p1 =	sge.u32 s12, s8  }
0x20: {  	s14 =	sxor.u32 @!p1 $0xFFFFFFFF, s12  }
0x21: {  	s14 =	sand.u32 @!p1 $0x1, s14  }
0x22: {  	s14 =	smul.u32 @!p1 $0x640, s14  }
0x23: {  	s31 =	sadd.s32 $0xFFFFFFFF, s12;
	s15 =	sshrl.u32 @!p1 s11, $0x3  }
0x24: {  	s16 =	sand.u32 @!p1 $0x7, s11;
	s15 =	sadd.s32 @!p1 s9, s15;
	s14 =	sshrl.u32 @!p1 s14, $0x2  }
0x25: {  	[tilespmem:s14], [sflag:$0x2] =	stream.linear.gather @!p1 [hbm4b:s15+s16], $0x190, $0x38;
	[tilespmem:$0x19320] =	vst v63  }
0x26: {  	p1 =	sge.u32 s31, s8  }
.Ltmp2:
0x27: {  	_ = 	snop;
	(pc) =	sbr.rel @p1 .LBB2_7-.Ltmp2, $1  }
0x28: {  	_ =	sdelay $0x3  }
0x29: {  	s14 =	simm.s32 $0x1  }
0x2a: {  	s14 =	simm.s32 @!p0 $0x0  }
0x2b: {  	s15 =	smul.u32 $0x640, s14  }
0x2c: {  	_ =	swait.ge [sflag:s7], $0x190  }
0x2d: {  	[sflag:s7] =	ssyncset.done $0x0;
	s16 =	sshrl.u32 s15, $0x2  }
0x2e: {  	[sflag:s7] =	ssyncadd.s32 $0xFFFFFE70;
	s15 =	sadd.s32 $0x0, s16  }
0x2f: {  	v0 =	vld.msk [tilespmem:s15+$0x0 ss:$0x1], $0xffff;
	_ =	sdelay $0x4  }
0x30: {  	vm2 =	vgt.s32 v0, $0x0  }
0x31: {  	v0 =	vnsel vm2, $0x0, v0  }
0x32: {  	v0 =	vmin.u32 v0, $0x277F  }
0x33: {  	v0 =	vshll.u32 v0, $0x4  }
0x34: {  	s14 =	smul.u32 $0x32000, s14;
	_ =	sdelay $0x1  }
0x35: {  	s14 =	sshrl.u32 s14, $0x2  }
0x36: {  	s14 =	sor.u32 $0x320, s14  }
0x37: {  	[tilespmem:s14], [sflag:$0x1] =	stream.indirect_vreg.gather [hbm:s4], $0x80, v0, vm0, $0x38;
	[tilespmem:$0x19320] =	vst v63  }
0x38: {  	s17 =	sadd.s32 $0x10, s16;
	s15 =	sadd.s32 $0x400, s14  }
0x39: {  	[tilespmem:s15], [sflag:$0x1] =	stream.indirect_vreg.gather [hbm:s4], $0x80, v0, vm1, $0x38;
	[tilespmem:$0x19320] =	vst v63  }
0x3a: {  	s18 =	simm.s32 $0x80;
	v0 =	vld.msk [tilespmem:s17+$0x0 ss:$0x1], $0xffff;
	s17 =	smov.u32 s14  }
.LBB2_3:
0x3b: {  	p1 =	sne.s32 s18, $0x600;
	_ =	sdelay $0x4  }
0x3c: {  	vm2 =	vgt.s32 v0, $0x0  }
0x3d: {  	v0 =	vnsel vm2, $0x0, v0  }
0x3e: {  	v0 =	vmin.u32 v0, $0x277F  }
0x3f: {  	v0 =	vshll.u32 v0, $0x4;
	_ =	sdelay $0x3  }
.Ltmp3:
0x40: {  	s19 =	sshra.s32 s18, $0x2;
	s17 =	sadd.s32 $0x800, s17;
	(pc) =	sbr.rel @p1 .LBB2_3-.Ltmp3, $4  }
0x41: {  	[tilespmem:s17], [sflag:$0x1] =	stream.indirect_vreg.gather [hbm:s4], $0x80, v0, vm0, $0x38;
	[tilespmem:$0x19320] =	vst v63  }
0x42: {  	s19 =	sadd.s32 s19, s16;
	s20 =	sadd.s32 $0x400, s17  }
0x43: {  	[tilespmem:s20], [sflag:$0x1] =	stream.indirect_vreg.gather [hbm:s4], $0x80, v0, vm1, $0x38;
	[tilespmem:$0x19320] =	vst v63  }
0x44: {  	s18 =	sadd.s32 $0x40, s18;
	v0 =	vld.msk [tilespmem:s19+$0x0 ss:$0x1], $0xffff  }
0x45: {  	_ =	sdelay $0x3  }
0x46: {  	vm2 =	vgt.s32 v0, $0x0  }
0x47: {  	v0 =	vnsel vm2, $0x0, v0  }
0x48: {  	v0 =	vmin.u32 v0, $0x277F  }
0x49: {  	v0 =	vshll.u32 v0, $0x4;
	_ =	sdelay $0x3  }
0x4a: {  	s16 =	sadd.s32 $0x800, s17  }
0x4b: {  	[tilespmem:s16], [sflag:$0x1] =	stream.indirect_vreg.gather [hbm:s4], $0x80, v0, vm0, $0x38;
	[tilespmem:$0x19320] =	vst v63  }
0x4c: {  	s16 =	sadd.s32 $0x400, s16  }
0x4d: {  	[tilespmem:s16], [sflag:$0x1] =	stream.indirect_vreg.gather [hbm:s4], $0x80, v0, vm1, $0x38;
	[tilespmem:$0x19320] =	vst v63  }
0x4e: {  	s13 =	sshll.u32 s13, $0x4;
	_ =	swait.ge [sflag:s6], $0xC800  }
0x4f: {  	s13 =	sadd.s32 s13, s5;
	[sflag:s6] =	ssyncset.done $0x0  }
0x50: {  	s17 =	sadd.s32 $0x0, s13;
	s16 =	simm.s32 $0x80;
	[sflag:s6] =	ssyncadd.s32 $0xFFFF3800  }
.LBB2_5:
0x51: {  	[hbm:s17] =	stream.linear.scatter [tilespmem:s14], [sflag:$0x3], $0x400, $0x38;
	[tilespmem:$0x19320] =	vst v63  }
0x52: {  	s17 =	smov.u32 s16;
	s14 =	smov.u32 s15;
	p1 =	sne.s32 s16, $0x1880  }
.Ltmp4:
0x53: {  	s16 =	sadd.s32 $0x80, s16;
	(pc) =	sbr.rel @p1 .LBB2_5-.Ltmp4, $2  }
0x54: {  	_ =	sdelay $0x2  }
0x55: {  	s15 =	sadd.s32 $0x400, s15;
	s17 =	sadd.s32 s17, s13  }
.Ltmp5:
0x56: {  	_ = 	snop;
	(pc) =	sbr.rel .LBB2_6-.Ltmp5, $1  }
0x57: {  	_ =	sdelay $0x3  }
.LBB2_8:
0x58: {  	_ =	sfence.sel $0x180000  }
0x59: {  	s1 =	simm.s32 $0x2;
	[bflag:$0x0] =	sbarrier.arrive $0xFFFF  }
0x5a: {  	s30 =	simm.s32 $0x3;
	[sflag:s1] =	ssyncpa.u1 $0x1  }
0x5b: {  	s31 =	simm.s32 $0x1;
	[sflag:s30] =	ssyncpa.u1 $0x1  }
0x5c: {  	[sflag:s31] =	ssyncpa.u1 $0x1  }
0x5d: {  	p0 =	sne.s32 s0, $0x0;
	_ =	strace $0x9000004D  }
0x5e: {  	s0 =	sadd.s32 @!p0 $0x100000, s2;
	[bflag:$0x2] =	sbarrier.arrive $0xFFFF  }
0x5f: {  	[sflag:s0] =	ssyncadd.tile.s32 @!p0 $0x1;
	_ =	shalt  }
.Lfunc_end2:
_tile_overlayer_lowered:
.L_overlay_start_2:
0x60: {  	(tag) =	ssettag $0x2  }
0x61: {  	s0 =	rddreg [dreg:$0x0];
	s2 =	stileid.u32  }
0x62: {  	s1 =	rddreg [dreg:$0x1];
	p0 =	sne.s32 s2, $0x0  }
0x63: {  	s3 =	rddreg [dreg:$0x2];
	[bflag:$0x3] =	sbarrier.arrive $0xFFFF;
	s2 =	simm.s32 @!p0 $0x1C01  }
0x64: {  	[timem:s3], [sflag:s2] =	dma.local @!p0 [hbm:s0], s1  }
0x65: {  	s0 =	simm.s32 @!p0 $0x1  }
0x66: {  	_ =	swait.ge @!p0 [sflag:s0], s1  }
0x67: {  	s1 =	ssub.s32 @!p0 $0x0, s1;
	[sflag:s0] =	ssyncset.done @!p0 $0x0  }
0x68: {  	[sflag:s0] =	ssyncadd.s32 @!p0 s1  }
0x69: {  	[bflag:$0x3] =	sbarrier.arrive $0xFFFF  }
0x6a: {  	_ =	shalt  }

// kernel: gather_offload_async_start
scs
__scs_entry_jumppad:
0x0: {  	(pc) =	sbr.rel $0x88, $3  }
0x1: {  	(tag) =	ssettag $0x0;
	lr =	simm.s32 $0x1  }
0x2: {  	[smem:$0x3F8A] =	sst lr;
	_ =	strace $0xD0000000  }
0x3: {  	_ = 	snop  }
0x4: {  	_ = 	snop  }
0x5: {  	_ = 	snop  }
0x6: {  	_ = 	snop  }
0x7: {  	_ = 	snop  }
__scs_overlays_trampoline_lowered:
0x8: {  	[smem:$0x3F99] =	sst s0  }
0x9: {  	[smem:$0x3F9A] =	sst s1  }
0xa: {  	[smem:$0x3F9B] =	sst s2  }
0xb: {  	[smem:$0x3F9C] =	sst s3  }
0xc: {  	[smem:$0x3F9D] =	sst s4  }
0xd: {  	[smem:$0x3F9E] =	sst s5  }
0xe: {  	[smem:$0x3F9F] =	sst s6  }
0xf: {  	[smem:$0x3FA0] =	sst s7  }
0x10: {  	[smem:$0x3FA1] =	sst s8  }
0x11: {  	[smem:$0x3FA2] =	sst s9;
	s0 =	simm.s32 @!p0 $0x0  }
0x12: {  	s1 =	sld [smem:$0x3F88];
	s0 =	simm.s32 @p0 $0x1  }
0x13: {  	[smem:$0x3FA3] =	sst s0;
	s0 =	simm.s32 @!p1 $0x0  }
0x14: {  	s2 =	sld [smem:$0x3F87];
	s0 =	simm.s32 @p1 $0x1  }
0x15: {  	[smem:$0x3FA4] =	sst s0;
	s0 =	simm.s32 @!p2 $0x0  }
0x16: {  	s3 =	sld [smem:$0x3FDB];
	s0 =	simm.s32 @p2 $0x1  }
0x17: {  	s4 =	simm.s32 $0x1BF5;
	[smem:$0x3FA6] =	sst s0  }
0x18: {  	s0 =	sld [smem:$0x3F89];
	_ =	swait.ge [sflag:s4], $0x0  }
0x19: {  	s7 =	sld [smem:$0x3F8A]  }
0x1a: {  	s8 =	sadd.s32 $0xFFFFE003, lr  }
0x1b: {  	s9 =	sadd.s32 $0xFFFFFEF7, lr;
	s5 =	simm.s32 $0xFFFFFFFF;
	p2 =	slt.u32 s8, $0xFFFFF086  }
0x1c: {  	p1 =	slt.u32 s9, $0xF7A;
	s5 =	simm.s32 @!p2 $0x0  }
0x1d: {  	s5 =	simm.s32 @p1 $0x1;
	p0 =	seq.s32 s7, s2  }
0x1e: {  	s7 =	smul.u32 @!p0 $0xF7A, s2;
	p2 =	seq.s32 @!p0 s5, $0x0  }
0x1f: {  	s9 =	smul.u32 $0xF7A, s1;
	s8 =	simm.s32 @!p0 $0x1BF5;
	p2 =	por !p2, p0  }
0x20: {  	[sflag:s8] =	ssyncset.s32 @!p0 $0xFFFFF086;
	s6 =	sadd.s32 @!p0 s3, s7;
	s7 =	simm.s32 @!p0 $0x108  }
0x21: {  	s3 =	sadd.s32 s3, s9;
	s6 =	sadd.s32 @!p0 $0x88, s6;
	s7 =	simm.s32 @p2 $0x1082  }
0x22: {  	[simem:s7], [sflag:s8] =	dma.local @!p0 [hbm:s6], $0xF7A  }
0x23: {  	s9 =	sor.u32 $0xD0000000, s2;
	s6 =	simm.s32 $0x108;
	_ =	swait.ge @!p0 [sflag:s8], $0x0  }
0x24: {  	s3 =	sadd.s32 $0x88, s3;
	s6 =	simm.s32 @!p1 $0x1082;
	[sflag:s4] =	ssyncset.s32 $0xFFFFF086  }
0x25: {  	[simem:s6], [sflag:s4] =	dma.local [hbm:s3], $0xF7A  }
0x26: {  	[smem:$0x3F8A] =	sst s1;
	(tag) =	ssettag s2;
	_ =	strace s9  }
0x27: {  	s1 =	sld [smem:$0x3F9A]  }
0x28: {  	s2 =	sld [smem:$0x3F9B]  }
0x29: {  	s4 =	sld [smem:$0x3F9D]  }
0x2a: {  	p0 =	seq.s32 s5, $0x0;
	s5 =	sld [smem:$0x3F9E]  }
0x2b: {  	s6 =	sld [smem:$0x3F9F]  }
0x2c: {  	s7 =	sld [smem:$0x3FA0]  }
0x2d: {  	s3 =	simm.s32 $0x108;
	s8 =	sld [smem:$0x3FA1]  }
0x2e: {  	s3 =	simm.s32 @!p0 $0x1082;
	s9 =	sld [smem:$0x3FA2]  }
0x2f: {  	lr =	sadd.s32 s0, s3;
	s0 =	sld [smem:$0x3F99]  }
0x30: {  	s3 =	sld [smem:$0x3F9C]  }
0x31: {  	[smem:$0x3FA5] =	sst s10  }
0x32: {  	s10 =	sld [smem:$0x3FA3];
	_ =	sdelay $0x3  }
0x33: {  	p0 =	seq.s32 s10, $0x1;
	s10 =	sld [smem:$0x3FA5];
	_ =	sdelay $0x3  }
0x34: {  	[smem:$0x3FA5] =	sst s10  }
0x35: {  	s10 =	sld [smem:$0x3FA4];
	_ =	sdelay $0x3  }
0x36: {  	p1 =	seq.s32 s10, $0x1;
	s10 =	sld [smem:$0x3FA5];
	_ =	sdelay $0x3  }
0x37: {  	[smem:$0x3FA5] =	sst s10  }
0x38: {  	s10 =	sld [smem:$0x3FA6]  }
0x39: {  	_ = 	snop;
	(pc) =	sbr.ind lr, $3  }
0x3a: {  	_ = 	snop  }
0x3b: {  	_ = 	snop  }
0x3c: {  	p2 =	seq.s32 s10, $0x1;
	s10 =	sld [smem:$0x3FA5]  }
0x3d: {  	_ =	shalt  }
0x3e: {  	_ =	shalt  }
0x3f: {  	_ =	shalt  }
0x40: {  	_ =	shalt  }
0x41: {  	_ =	shalt  }
0x42: {  	_ =	shalt  }
0x43: {  	_ =	shalt  }
0x44: {  	_ =	shalt  }
0x45: {  	_ =	shalt  }
0x46: {  	_ =	shalt  }
0x47: {  	_ =	shalt  }
0x48: {  	_ =	shalt  }
0x49: {  	_ =	shalt  }
0x4a: {  	_ =	shalt  }
0x4b: {  	_ =	shalt  }
0x4c: {  	_ =	shalt  }
0x4d: {  	_ =	shalt  }
0x4e: {  	_ =	shalt  }
0x4f: {  	_ =	shalt  }
0x50: {  	_ =	shalt  }
0x51: {  	_ =	shalt  }
0x52: {  	_ =	shalt  }
0x53: {  	_ =	shalt  }
0x54: {  	_ =	shalt  }
0x55: {  	_ =	shalt  }
0x56: {  	_ =	shalt  }
0x57: {  	_ =	shalt  }
0x58: {  	_ =	shalt  }
0x59: {  	_ =	shalt  }
0x5a: {  	_ =	shalt  }
0x5b: {  	_ =	shalt  }
0x5c: {  	_ =	shalt  }
0x5d: {  	_ =	shalt  }
0x5e: {  	_ =	shalt  }
0x5f: {  	_ =	shalt  }
0x60: {  	_ =	shalt  }
0x61: {  	_ =	shalt  }
0x62: {  	_ =	shalt  }
0x63: {  	_ =	shalt  }
0x64: {  	_ =	shalt  }
0x65: {  	_ =	shalt  }
0x66: {  	_ =	shalt  }
0x67: {  	_ =	shalt  }
0x68: {  	_ =	shalt  }
0x69: {  	_ =	shalt  }
0x6a: {  	_ =	shalt  }
0x6b: {  	_ =	shalt  }
0x6c: {  	_ =	shalt  }
0x6d: {  	_ =	shalt  }
0x6e: {  	_ =	shalt  }
0x6f: {  	_ =	shalt  }
0x70: {  	_ =	shalt  }
0x71: {  	_ =	shalt  }
0x72: {  	_ =	shalt  }
0x73: {  	_ =	shalt  }
0x74: {  	_ =	shalt  }
0x75: {  	_ =	shalt  }
0x76: {  	_ =	shalt  }
0x77: {  	_ =	shalt  }
0x78: {  	_ =	shalt  }
0x79: {  	_ =	shalt  }
0x7a: {  	_ =	shalt  }
0x7b: {  	_ =	shalt  }
0x7c: {  	_ =	shalt  }
0x7d: {  	_ =	shalt  }
0x7e: {  	_ =	shalt  }
0x7f: {  	_ =	shalt  }
0x80: {  	_ =	shalt  }
0x81: {  	_ =	shalt  }
0x82: {  	_ =	shalt  }
0x83: {  	_ =	shalt  }
0x84: {  	_ =	shalt  }
0x85: {  	_ =	shalt  }
0x86: {  	_ =	shalt  }
0x87: {  	_ =	shalt  }
.Lfunc_end0:
.L_simem_size_0:
called_computation_lowered:
.L_overlay_start_0:
0x88: {  	s0 =	sld [smem:$0x3FD9]  }
0x89: {  	s1 =	sld [smem:$0x3FFE];
	_ =	sdelay $0x3  }
0x8a: {  	s0 =	sadd.s32 s1, s0  }
0x8b: {  	[smem:$0x3FB1] =	sst s0  }
0x8c: {  	_ = 	snop  }
0x8d: {  	s0 =	sld [smem:$0x3FC9];
	(tm) =	ssettm $0x1  }
0x8e: {  	s16 =	sld [smem:$0x3FFB];
	_ =	sdelay $0x3  }
0x8f: {  	_ =	strace s16  }
0x90: {  	s1 =	sld [smem:$0x3FFC];
	_ =	sdelay $0x3  }
0x91: {  	_ =	strace s1  }
0x92: {  	s1 =	sld [smem:$0x3FFD];
	_ =	sdelay $0x3  }
0x93: {  	_ =	strace s1  }
0x94: {  	_ =	strace $0x8FFFFFFF  }
0x95: {  	s17 =	sld [smem:$0x3FDB];
	_ =	sdelay $0x1  }
0x96: {  	s2 =	simm.s32 $_scs_section_size  }
0x97: {  	s3 =	simm.s32 $_size__tile_overlayer_lowered;
	s4 =	simm.s32 $_tile_overlayer_lowered  }
0x98: {  	s20 =	simm.s32 $0x1BFF;
	s19 =	sshll.u32 s4, $0x1;
	s1 =	sadd.s32 s2, s17  }
0x99: {  	s5 =	simm.s32 $0x0;
	s18 =	sshll.u32 s3, $0x1;
	s3 =	sadd.s32 s19, s1  }
0x9a: {  	[timem:s5], [sflag:s20] =	dma.local [hbm:s3], s18  }
0x9b: {  	_ =	swait.ge [sflag:s20], s18  }
0x9c: {  	s2 =	ssub.s32 $0x0, s18;
	[sflag:s20] =	ssyncset.done $0x0  }
0x9d: {  	[sflag:s20] =	ssyncadd.s32 s2;
	_ =	sdelay $0x1  }
0x9e: {  	s21 =	simm.s32 $0x1B8B  }
0x9f: {  	_ =	swait.ge [sflag:s21], $0x1  }
0xa0: {  	[sflag:s21] =	ssyncset.done $0x0  }
0xa1: {  	s23 =	simm.s32 $0x1B8E;
	s22 =	sld [smem:$0x3FFE];
	[sflag:s21] =	ssyncadd.s32 $0xFFFFFFFF  }
0xa2: {  	s24 =	simm.s32 $execute0_lowered;
	[smem:$0x3FD2] =	sst s23  }
0xa3: {  	s3 =	sshll.u32 s24, $0x1;
	_ =	strace $0x80000049;
	[dreg:$0x1] =	wrdreg $0xFFFFFFFF  }
0xa4: {  	s25 =	simm.s32 $_size_execute0_lowered;
	s1 =	sadd.s32 s1, s3;
	[dreg:$0x0] =	wrdreg $0x0  }
0xa5: {  	s3 =	sshll.u32 s25, $0x1;
	[dreg:$0x2] =	wrdreg s1  }
0xa6: {  	[dreg:$0x3] =	wrdreg s3  }
0xa7: {  	[dreg:$0x4] =	wrdreg $0xC0  }
0xa8: {  	_ =	task [dreg:s5], $0x5FFFF  }
0xa9: {  	[dreg:$0x1] =	wrdreg $0xFFFFFFFF  }
0xaa: {  	[dreg:$0x0] =	wrdreg $0x60  }
0xab: {  	[dreg:$0x2] =	wrdreg s0  }
0xac: {  	[dreg:$0x3] =	wrdreg s22  }
0xad: {  	[dreg:$0x4] =	wrdreg $0x9  }
0xae: {  	_ =	task.clear_ibuf [dreg:s5], $0x5FFFF;
	_ =	strace $0x90000049  }
0xaf: {  	s26 =	simm.s32 $0x9;
	_ =	strace $0x8000004B  }
0xb0: {  	_ =	swait.ge [sflag:s26], $0x1  }
0xb1: {  	[sflag:s26] =	ssyncadd.s32 $0xFFFFFFFF  }
0xb2: {  	_ =	strace $0x9000004B  }
0xb3: {  	_ =	sfence  }
0xb4: {  	s28 =	sld [smem:$0x0];
	_ =	sdelay $0x1  }
0xb5: {  	s29 =	srdreg.scid  }
0xb6: {  	s30 =	sshll.u32 s29, $0xD;
	s31 =	sshrl.u32 s29, $0x2  }
0xb7: {  	s2 =	sand.u32 $0x4000, s30;
	s1 =	sand.u32 $0x1, s29;
	s0 =	sadd.s32 s31, s28  }
0xb8: {  	s1 =	sor.u32 s2, s1;
	s0 =	sshll.u32 s0, $0x11  }
0xb9: {  	s0 =	sor.u32 s0, s1  }
0xba: {  	s0 =	sadd.s32 $0x8F2B, s0  }
0xbb: {  	[sflag:s0] =	ssyncadd.remote.s32 $0x1  }
0xbc: {  	_ =	sfence.sel $0xFFFF  }
0xbd: {  	[dreg:$0x0] =	wrdreg $0xFFFFFFFF;
	(pc) =	sbr.abs _section_cstart, $3  }
0xbe: {  	[dreg:$0x1] =	wrdreg $0xFFFFFFFF  }
0xbf: {  	_ =	task.clear_ibuf [dreg:s5], $0x2FFFF;
	_ =	strace $0x9FFFFFFF  }
0xc0: {  	(tm) =	ssettm $0x7FFFFFFF  }
0xc1: {  	_ =	shalt  }
tec
execute0_lowered:
.L_overlay_start_1:
0x0: {  	(tag) =	ssettag $0x1  }
0x1: {  	s0 =	stileid.u32  }
0x2: {  	s1 =	smin.u32 s0, $0x9  }
0x3: {  	s1 =	sadd.s32 s0, s1  }
0x4: {  	s2 =	simm.s32 $0x320;
	p0 =	slt.u32 s0, $0x9;
	s1 =	smul.u32 $0x190, s1  }
0x5: {  	s2 =	simm.s32 @!p0 $0x190  }
0x6: {  	s2 =	sadd.s32 s2, s1  }
0x7: {  	s3 =	smin.u32 s2, $0x2710  }
0x8: {  	s7 =	ssub.s32 s3, s1  }
0x9: {  	p0 =	sgt.s32 s7, $0x0  }
0xa: {  	s7 =	simm.s32 @!p0 $0x0  }
0xb: {  	s31 =	sand.u32 $0xFFF0, s7  }
0xc: {  	s2 =	sshrl.u32 s31, $0x4  }
0xd: {  	s4 =	rddreg [dreg:$0x0];
	s2 =	smul.u32 $0xA3E, s2  }
0xe: {  	s5 =	rddreg [dreg:$0x1]  }
0xf: {  	s6 =	simm.s32 $0x1;
	s10 =	simm.s32 $0x3;
	s8 =	sshrl.u32 s2, $0x10  }
0x10: {  	s13 =	simm.s32 $0x0;
	s12 =	simm.s32 $0x0;
	s9 =	smul.u32 $0x190, s8  }
.Ltmp0:
0x11: {  	s11 =	smov.u32 s1;
	s2 =	rddreg [dreg:$0x2];
	(pc) =	sbr.rel .LBB2_1-.Ltmp0, $4  }
0x12: {  	_ =	strace $0x8000004A;
	p0 =	sne.s32 s7, s9;
	s9 =	simm.s32 $0x1  }
0x13: {  	[sflag:s6] =	ssyncpa.u1 $0x0;
	s7 =	simm.s32 $0x2;
	s9 =	simm.s32 @!p0 $0x0  }
0x14: {  	[sflag:s7] =	ssyncpa.u1 $0x0;
	p0 =	por $0x0, $0x0;
	s8 =	sadd.s32 s8, s9  }
0x15: {  	vm0 =	vmmov $0xff;
	vm1 =	vcmask $0x3F20;
	s9 =	sadd.s32 $0x27800, s5;
	[sflag:s10] =	ssyncpa.u1 $0x0;
	s10 =	sadd.s32 $0x1, s8  }
.LBB2_6:
0x16: {  	[hbm:s17] =	stream.linear.scatter [tilespmem:s14], [sflag:$0x3], $0x400, $0x38;
	[tilespmem:$0x19320] =	vst v63  }
.LBB2_7:
0x17: {  	s13 =	sadd.s32 $0x190, s11  }
0x18: {  	s15 =	smov.u32 s1;
	p2 =	slt.s32 s13, s3  }
0x19: {  	s15 =	smov.u32 @p2 s13;
	p2 =	sne.s32 s12, s10  }
.Ltmp1:
0x1a: {  	p1 =	slt.u32 s12, $0x2;
	(pc) =	sbr.rel @!p2 .LBB2_8-.Ltmp1, $4  }
0x1b: {  	s14 =	simm.s32 @!p1 $0x3  }
0x1c: {  	s16 =	sadd.s32 $0x1, s12;
	_ =	swait.ge @!p1 [sflag:s14], $0xC800  }
0x1d: {  	p0 =	por !p0, !p0;
	s13 =	smov.u32 s11;
	[sflag:s14] =	ssyncset.done @!p1 $0x0  }
0x1e: {  	s12 =	smov.u32 s16;
	s11 =	smov.u32 s15;
	[sflag:s14] =	ssyncadd.s32 @!p1 $0xFFFF3800  }
.LBB2_1:
0x1f: {  	p1 =	sge.u32 s12, s8  }
0x20: {  	s14 =	sxor.u32 @!p1 $0xFFFFFFFF, s12  }
0x21: {  	s14 =	sand.u32 @!p1 $0x1, s14  }
0x22: {  	s14 =	smul.u32 @!p1 $0x640, s14  }
0x23: {  	s31 =	sadd.s32 $0xFFFFFFFF, s12;
	s15 =	sshrl.u32 @!p1 s11, $0x3  }
0x24: {  	s16 =	sand.u32 @!p1 $0x7, s11;
	s15 =	sadd.s32 @!p1 s5, s15;
	s14 =	sshrl.u32 @!p1 s14, $0x2  }
0x25: {  	[tilespmem:s14], [sflag:$0x2] =	stream.linear.gather @!p1 [hbm4b:s15+s16], $0x190, $0x38;
	[tilespmem:$0x19320] =	vst v63  }
0x26: {  	p1 =	sge.u32 s31, s8  }
.Ltmp2:
0x27: {  	_ = 	snop;
	(pc) =	sbr.rel @p1 .LBB2_7-.Ltmp2, $1  }
0x28: {  	_ =	sdelay $0x3  }
0x29: {  	s14 =	simm.s32 $0x1  }
0x2a: {  	s14 =	simm.s32 @!p0 $0x0  }
0x2b: {  	s15 =	smul.u32 $0x640, s14  }
0x2c: {  	_ =	swait.ge [sflag:s7], $0x190  }
0x2d: {  	[sflag:s7] =	ssyncset.done $0x0;
	s16 =	sshrl.u32 s15, $0x2  }
0x2e: {  	[sflag:s7] =	ssyncadd.s32 $0xFFFFFE70;
	s15 =	sadd.s32 $0x0, s16  }
0x2f: {  	v0 =	vld.msk [tilespmem:s15+$0x0 ss:$0x1], $0xffff;
	_ =	sdelay $0x4  }
0x30: {  	vm2 =	vgt.s32 v0, $0x0  }
0x31: {  	v0 =	vnsel vm2, $0x0, v0  }
0x32: {  	v0 =	vmin.u32 v0, $0x270F  }
0x33: {  	v0 =	vshll.u32 v0, $0x4  }
0x34: {  	s14 =	smul.u32 $0x32000, s14;
	_ =	sdelay $0x1  }
0x35: {  	s14 =	sshrl.u32 s14, $0x2  }
0x36: {  	s14 =	sor.u32 $0x320, s14  }
0x37: {  	[tilespmem:s14], [sflag:$0x1] =	stream.indirect_vreg.gather [hbm:s4], $0x80, v0, vm0, $0x38;
	[tilespmem:$0x19320] =	vst v63  }
0x38: {  	s17 =	sadd.s32 $0x10, s16;
	s15 =	sadd.s32 $0x400, s14  }
0x39: {  	[tilespmem:s15], [sflag:$0x1] =	stream.indirect_vreg.gather [hbm:s4], $0x80, v0, vm1, $0x38;
	[tilespmem:$0x19320] =	vst v63  }
0x3a: {  	s18 =	simm.s32 $0x80;
	v0 =	vld.msk [tilespmem:s17+$0x0 ss:$0x1], $0xffff;
	s17 =	smov.u32 s14  }
.LBB2_3:
0x3b: {  	p1 =	sne.s32 s18, $0x600;
	_ =	sdelay $0x4  }
0x3c: {  	vm2 =	vgt.s32 v0, $0x0  }
0x3d: {  	v0 =	vnsel vm2, $0x0, v0  }
0x3e: {  	v0 =	vmin.u32 v0, $0x270F  }
0x3f: {  	v0 =	vshll.u32 v0, $0x4;
	_ =	sdelay $0x3  }
.Ltmp3:
0x40: {  	s19 =	sshra.s32 s18, $0x2;
	s17 =	sadd.s32 $0x800, s17;
	(pc) =	sbr.rel @p1 .LBB2_3-.Ltmp3, $4  }
0x41: {  	[tilespmem:s17], [sflag:$0x1] =	stream.indirect_vreg.gather [hbm:s4], $0x80, v0, vm0, $0x38;
	[tilespmem:$0x19320] =	vst v63  }
0x42: {  	s19 =	sadd.s32 s19, s16;
	s20 =	sadd.s32 $0x400, s17  }
0x43: {  	[tilespmem:s20], [sflag:$0x1] =	stream.indirect_vreg.gather [hbm:s4], $0x80, v0, vm1, $0x38;
	[tilespmem:$0x19320] =	vst v63  }
0x44: {  	s18 =	sadd.s32 $0x40, s18;
	v0 =	vld.msk [tilespmem:s19+$0x0 ss:$0x1], $0xffff  }
0x45: {  	_ =	sdelay $0x3  }
0x46: {  	vm2 =	vgt.s32 v0, $0x0  }
0x47: {  	v0 =	vnsel vm2, $0x0, v0  }
0x48: {  	v0 =	vmin.u32 v0, $0x270F  }
0x49: {  	v0 =	vshll.u32 v0, $0x4;
	_ =	sdelay $0x3  }
0x4a: {  	s16 =	sadd.s32 $0x800, s17  }
0x4b: {  	[tilespmem:s16], [sflag:$0x1] =	stream.indirect_vreg.gather [hbm:s4], $0x80, v0, vm0, $0x38;
	[tilespmem:$0x19320] =	vst v63  }
0x4c: {  	s16 =	sadd.s32 $0x400, s16  }
0x4d: {  	[tilespmem:s16], [sflag:$0x1] =	stream.indirect_vreg.gather [hbm:s4], $0x80, v0, vm1, $0x38;
	[tilespmem:$0x19320] =	vst v63  }
0x4e: {  	s13 =	sshll.u32 s13, $0x4;
	_ =	swait.ge [sflag:s6], $0xC800  }
0x4f: {  	s13 =	sadd.s32 s13, s9;
	[sflag:s6] =	ssyncset.done $0x0  }
0x50: {  	s17 =	sadd.s32 $0x0, s13;
	s16 =	simm.s32 $0x80;
	[sflag:s6] =	ssyncadd.s32 $0xFFFF3800  }
.LBB2_5:
0x51: {  	[hbm:s17] =	stream.linear.scatter [tilespmem:s14], [sflag:$0x3], $0x400, $0x38;
	[tilespmem:$0x19320] =	vst v63  }
0x52: {  	s17 =	smov.u32 s16;
	s14 =	smov.u32 s15;
	p1 =	sne.s32 s16, $0x1880  }
.Ltmp4:
0x53: {  	s16 =	sadd.s32 $0x80, s16;
	(pc) =	sbr.rel @p1 .LBB2_5-.Ltmp4, $2  }
0x54: {  	_ =	sdelay $0x2  }
0x55: {  	s15 =	sadd.s32 $0x400, s15;
	s17 =	sadd.s32 s17, s13  }
.Ltmp5:
0x56: {  	_ = 	snop;
	(pc) =	sbr.rel .LBB2_6-.Ltmp5, $1  }
0x57: {  	_ =	sdelay $0x3  }
.LBB2_8:
0x58: {  	_ =	sfence.sel $0x180000  }
0x59: {  	s1 =	simm.s32 $0x2;
	[bflag:$0x0] =	sbarrier.arrive $0xFFFF  }
0x5a: {  	s30 =	simm.s32 $0x3;
	[sflag:s1] =	ssyncpa.u1 $0x1  }
0x5b: {  	s31 =	simm.s32 $0x1;
	[sflag:s30] =	ssyncpa.u1 $0x1  }
0x5c: {  	[sflag:s31] =	ssyncpa.u1 $0x1  }
0x5d: {  	p0 =	sne.s32 s0, $0x0;
	_ =	strace $0x9000004A  }
0x5e: {  	s0 =	sadd.s32 @!p0 $0x100000, s2;
	[bflag:$0x2] =	sbarrier.arrive $0xFFFF  }
0x5f: {  	[sflag:s0] =	ssyncadd.tile.s32 @!p0 $0x1;
	_ =	shalt  }
.Lfunc_end2:
_tile_overlayer_lowered:
.L_overlay_start_2:
0x60: {  	(tag) =	ssettag $0x2  }
0x61: {  	s0 =	rddreg [dreg:$0x0];
	s2 =	stileid.u32  }
0x62: {  	s1 =	rddreg [dreg:$0x1];
	p0 =	sne.s32 s2, $0x0  }
0x63: {  	s3 =	rddreg [dreg:$0x2];
	[bflag:$0x3] =	sbarrier.arrive $0xFFFF;
	s2 =	simm.s32 @!p0 $0x1C01  }
0x64: {  	[timem:s3], [sflag:s2] =	dma.local @!p0 [hbm:s0], s1  }
0x65: {  	s0 =	simm.s32 @!p0 $0x1  }
0x66: {  	_ =	swait.ge @!p0 [sflag:s0], s1  }
0x67: {  	s1 =	ssub.s32 @!p0 $0x0, s1;
	[sflag:s0] =	ssyncset.done @!p0 $0x0  }
0x68: {  	[sflag:s0] =	ssyncadd.s32 @!p0 s1  }
0x69: {  	[bflag:$0x3] =	sbarrier.arrive $0xFFFF  }
0x6a: {  	_ =	shalt  }

</sc_bundles>
